<compile_context>
chip_gen: v7x
topology: tpu7x:2x2x1
jax: 0.10.2.dev20260603
libtpu: 0.0.44.dev20260713+nightly
codegen_flags: <defaults>
</compile_context>

<pallas_src>
import functools

import jax
import jax.numpy as jnp
from jax import lax
from jax.experimental import pallas as pl
from jax.experimental.pallas import tpu as pltpu
from jax.experimental.pallas import tpu_sc as plsc

_ATOM = 64
_BOND = 16
_B, _N, _E = 4, 512, 4096
_BP = 8
_NC, _NS = 2, 16
_EPT = _B * _E // (_NC * _NS)
_ROWS = _N * _BP
_ZR = _ROWS // _NS
_LANES = 128


def _prep_body(atom_ref, bond_ref, src_ref, tgt_ref, bt_ref,
               bmsg_ref, asum_ref, gsrc_ref, gtgt_ref):
    b = pl.program_id(0)
    bt16 = bt_ref[...].astype(jnp.bfloat16).astype(jnp.float32)
    w2 = jnp.sum(bt16, axis=-1)
    bond16 = bond_ref[0].astype(jnp.bfloat16).astype(jnp.float32)
    bmsg = jnp.dot(bond16, w2, preferred_element_type=jnp.float32,
                   precision=jax.lax.Precision.HIGHEST)
    bmsg_ref[0] = jnp.concatenate(
        [bmsg, jnp.zeros((_E, _LANES - _ATOM), jnp.float32)], axis=-1)
    asum_ref[0] = jnp.sum(atom_ref[0], axis=-1, keepdims=True)
    gsrc_ref[0] = src_ref[0] + b * _N
    gtgt_ref[0] = tgt_ref[0] * _BP + b


def _sc_scatter_body(bmsg_hbm, asum_hbm, gsrc_hbm, gtgt_hbm, zrows_hbm,
                     out_hbm, gsrc_v, gtgt_v, asum_v, s_v, msg_v, agg_sh):
    cid = lax.axis_index("c")
    sid = lax.axis_index("s")
    wid = cid * _NS + sid
    base = wid * _EPT
    pltpu.sync_copy(gsrc_hbm.at[pl.ds(base, _EPT)], gsrc_v)
    pltpu.sync_copy(gtgt_hbm.at[wid], gtgt_v)
    pltpu.sync_copy(asum_hbm, asum_v)
    pltpu.sync_copy(bmsg_hbm.at[pl.ds(base, _EPT)], msg_v)
    pltpu.sync_copy(zrows_hbm, agg_sh.at[pl.ds(sid * _ZR, _ZR)])

    def gather_body(i, carry):
        sl = pl.ds(i * 16, 16)
        s_v[sl] = plsc.load_gather(asum_v, [gsrc_v[sl]])
        return carry

    lax.fori_loop(0, _EPT // 16, gather_body, 0)

    def scale_body(i, carry):
        sv = s_v[pl.ds(i * 16, 16)]
        for j in range(16):
            e = i * 16 + j
            sc = sv[j]
            for k in range(_ATOM // 16):
                sl = pl.ds(k * 16, 16)
                msg_v[e, sl] = msg_v[e, sl] * sc
        return carry

    lax.fori_loop(0, _EPT // 16, scale_body, 0)

    plsc.subcore_barrier()
    for j in range(_EPT // 128):
        pltpu.sync_copy(msg_v.at[pl.ds(j * 128, 128)],
                        agg_sh.at[gtgt_v.at[j]], add=True)
    plsc.subcore_barrier()
    pltpu.sync_copy(agg_sh.at[pl.ds(sid * _ZR, _ZR)],
                    out_hbm.at[cid, pl.ds(sid * _ZR, _ZR)])


def _gru_body(atomT_ref, parts_ref, k_ref, r_ref, b_ref, out_ref, xmat_ref):
    a = atomT_ref[...]
    g = parts_ref[0, :, 0:_ATOM] + parts_ref[1, :, 0:_ATOM]
    xmat_ref[...] = (jnp.dot(a, k_ref[0:_ATOM, :])
                     + jnp.dot(g, k_ref[_ATOM:, :])
                     + b_ref[0:1, :])
    rmat = r_ref[...]
    br = b_ref[1:2, :]

    _UNROLL = 8
    _BLK = _BP * _UNROLL

    def step(i, h):
        blk = xmat_ref[pl.ds(i * _BLK, _BLK), :]
        outs = []
        for u in range(_UNROLL):
            xm = jax.lax.slice(blk, (u * _BP, 0), (u * _BP + _BP, 3 * _ATOM))
            hm = jnp.dot(h, rmat, preferred_element_type=jnp.float32) + br
            xz = xm[:, 0:_ATOM]
            xr = xm[:, _ATOM:2 * _ATOM]
            xh = xm[:, 2 * _ATOM:]
            rz = hm[:, 0:_ATOM]
            rr = hm[:, _ATOM:2 * _ATOM]
            rh = hm[:, 2 * _ATOM:]
            z = jax.nn.sigmoid(xz + rz)
            r = jax.nn.sigmoid(xr + rr)
            hcand = jnp.tanh(xh + r * rh)
            h = z * h + (1.0 - z) * hcand
            outs.append(h)
        out_ref[pl.ds(i * _BLK, _BLK), :] = jnp.concatenate(outs, axis=0)
        return h

    lax.fori_loop(0, _N // _UNROLL, step, jnp.zeros((_BP, _ATOM), jnp.float32))


def kernel(atom_features, bond_features, connectivity, bond_transform,
           gru_kernel, gru_recurrent_kernel, gru_bias):
    src = connectivity[:, :, 0:1]
    tgt = connectivity[:, :, 1:2]

    bmsg, asum, gsrc, gtgt = pl.pallas_call(
        _prep_body,
        grid=(_B,),
        in_specs=[
            pl.BlockSpec((1, _N, _ATOM), lambda b: (b, 0, 0)),
            pl.BlockSpec((1, _E, _BOND), lambda b: (b, 0, 0)),
            pl.BlockSpec((1, _E, 1), lambda b: (b, 0, 0)),
            pl.BlockSpec((1, _E, 1), lambda b: (b, 0, 0)),
            pl.BlockSpec((_BOND, _ATOM, _ATOM), lambda b: (0, 0, 0)),
        ],
        out_specs=[
            pl.BlockSpec((1, _E, _LANES), lambda b: (b, 0, 0)),
            pl.BlockSpec((1, _N, 1), lambda b: (b, 0, 0)),
            pl.BlockSpec((1, _E, 1), lambda b: (b, 0, 0)),
            pl.BlockSpec((1, _E, 1), lambda b: (b, 0, 0)),
        ],
        out_shape=[
            jax.ShapeDtypeStruct((_B, _E, _LANES), jnp.float32),
            jax.ShapeDtypeStruct((_B, _N, 1), jnp.float32),
            jax.ShapeDtypeStruct((_B, _E, 1), jnp.int32),
            jax.ShapeDtypeStruct((_B, _E, 1), jnp.int32),
        ],
    )(atom_features, bond_features, src, tgt, bond_transform)

    sc_scatter = functools.partial(
        pl.kernel,
        out_type=jax.ShapeDtypeStruct((_NC, _ROWS, _LANES), jnp.float32),
        mesh=plsc.VectorSubcoreMesh(core_axis_name="c", subcore_axis_name="s",
                                    num_cores=_NC, num_subcores=_NS),
        compiler_params=pltpu.CompilerParams(needs_layout_passes=False),
        scratch_types=[
            pltpu.VMEM((_EPT,), jnp.int32),
            pltpu.VMEM((_EPT // 128, 128), jnp.int32),
            pltpu.VMEM((_B * _N,), jnp.float32),
            pltpu.VMEM((_EPT,), jnp.float32),
            pltpu.VMEM((_EPT, _LANES), jnp.float32),
            pltpu.VMEM_SHARED((_ROWS, _LANES), jnp.float32),
        ],
    )(_sc_scatter_body)

    parts = sc_scatter(
        bmsg.reshape(_B * _E, _LANES),
        asum.reshape(_B * _N),
        gsrc.reshape(_B * _E),
        gtgt.reshape(_NC * _NS, _EPT // 128, 128),
        jnp.zeros((_ZR, _LANES), jnp.float32),
    )

    atomT = jnp.zeros((_N, _BP, _ATOM), jnp.float32)
    atomT = atomT.at[:, :_B].set(jnp.swapaxes(atom_features, 0, 1))
    atomT2 = atomT.reshape(_ROWS, _ATOM)

    out2 = pl.pallas_call(
        _gru_body,
        out_shape=jax.ShapeDtypeStruct((_ROWS, _ATOM), jnp.float32),
        scratch_shapes=[pltpu.VMEM((_ROWS, 3 * _ATOM), jnp.float32)],
    )(atomT2, parts, gru_kernel, gru_recurrent_kernel, gru_bias)

    out = out2.reshape(_N, _BP, _ATOM)[:, :_B]
    return jnp.swapaxes(out, 0, 1)

# --- scband reference (transcript-rebuilt; emitter-appended) ---
"""Pipeline reference for scband-message-passing-30726196036193 (READ-ONLY COPY).

The authoritative reference and input builder live on the scoring server;
editing this copy changes nothing except your own understanding.
"""

import jax, jax.numpy as jnp
import numpy as np

ATOM_DIM = 64
BOND_DIM = 16
B, N, E = 4, 512, 4096


def setup_inputs(seed: int = 0) -> dict:
    key = jax.random.key(seed)
    ks = jax.random.split(key, 7)
    atom_features = jax.random.normal(ks[0], (B, N, ATOM_DIM), dtype=jnp.float32)
    bond_features = jax.random.normal(ks[1], (B, E, BOND_DIM), dtype=jnp.float32)
    connectivity = jax.random.randint(ks[2], (B, E, 2), 0, N, dtype=jnp.int32)
    bond_transform = jax.random.normal(ks[3], (BOND_DIM, ATOM_DIM, ATOM_DIM), dtype=jnp.float32) * 0.05
    gru_kernel = jax.random.normal(ks[4], (2 * ATOM_DIM, 3 * ATOM_DIM), dtype=jnp.float32) * 0.05
    gru_recurrent_kernel = jax.random.normal(ks[5], (ATOM_DIM, 3 * ATOM_DIM), dtype=jnp.float32) * 0.05
    gru_bias = jnp.zeros((2, 3 * ATOM_DIM), dtype=jnp.float32)
    return {
        "atom_features": atom_features,
        "bond_features": bond_features,
        "connectivity": connectivity,
        "bond_transform": bond_transform,
        "gru_kernel": gru_kernel,
        "gru_recurrent_kernel": gru_recurrent_kernel,
        "gru_bias": gru_bias,
    }


def _gru(x, kernel, recurrent_kernel, bias):
    # Keras GRU, reset_after=True, activation=tanh, recurrent_activation=sigmoid
    units = ATOM_DIM
    bi = bias[0]
    br = bias[1]

    def step(h, xt):
        xmat = xt @ kernel + bi
        hmat = h @ recurrent_kernel + br
        xz, xr, xh = jnp.split(xmat, 3, axis=-1)
        rz, rr, rh = jnp.split(hmat, 3, axis=-1)
        z = jax.nn.sigmoid(xz + rz)
        r = jax.nn.sigmoid(xr + rr)
        hh = jnp.tanh(xh + r * rh)
        hn = z * h + (1.0 - z) * hh
        return hn, hn

    xs = jnp.swapaxes(x, 0, 1)  # [T, B, F]
    h0 = jnp.zeros((x.shape[0], units), dtype=x.dtype)
    _, ys = jax.lax.scan(step, h0, xs)
    return jnp.swapaxes(ys, 0, 1)  # [B, T, units]


def reference(atom_features, bond_features, connectivity, bond_transform, gru_kernel, gru_recurrent_kernel, gru_bias):
    # bond_weights: [B, E, atom_dim, atom_dim] (large materialized intermediate, as in TF code)
    bond_weights = jnp.einsum('bed,dlm->belm', bond_features, bond_transform)
    src_idx = connectivity[:, :, 0]
    # tf.gather(atom_features, src_idx, batch_dims=1) -> [B, E, atom_dim]
    src_atoms = jnp.take_along_axis(atom_features, src_idx[:, :, None], axis=1)
    # NOTE: faithful to original einsum 'belm,bek->bel': m and k are summed independently
    messages = jnp.einsum('belm,bek->bel', bond_weights, src_atoms)
    tgt_idx = connectivity[:, :, 1]
    b_idx = jnp.broadcast_to(jnp.arange(B, dtype=jnp.int32)[:, None], (B, E))
    # tf.scatter_nd accumulates duplicates -> scatter-add
    aggregated = jnp.zeros((B, N, ATOM_DIM), dtype=messages.dtype).at[b_idx, tgt_idx].add(messages)
    gru_in = jnp.concatenate([atom_features, aggregated], axis=-1)
    updated = _gru(gru_in, gru_kernel, gru_recurrent_kernel, gru_bias)
    return updated

if __name__ == "__main__":
    import jax
    _d = setup_inputs()
    print(jax.jit(kernel)(*tuple(_d.values())))

</pallas_src>

<mosaic_0001>
#map = affine_map<(d0, d1) -> (0, 0)>
#map1 = affine_map<(d0, d1) -> (0)>
#map2 = affine_map<(d0, d1) -> (0, 0, 0)>
module attributes {stable_mosaic.version = 14 : i64} {
  func.func @_sc_scatter_body(%arg0: i32, %arg1: i32, %arg2: memref<16384x128xf32, #tpu.memory_space<hbm>>, %arg3: memref<2048xf32, #tpu.memory_space<hbm>>, %arg4: memref<16384xi32, #tpu.memory_space<hbm>>, %arg5: memref<32x4x128xi32, #tpu.memory_space<hbm>>, %arg6: memref<256x128xf32, #tpu.memory_space<hbm>>, %arg7: memref<2x4096x128xf32, #tpu.memory_space<hbm>>, %arg8: memref<512xi32, #tpu.memory_space<vmem>>, %arg9: memref<4x128xi32, #tpu.memory_space<vmem>>, %arg10: memref<2048xf32, #tpu.memory_space<vmem>>, %arg11: memref<512xf32, #tpu.memory_space<vmem>>, %arg12: memref<512x128xf32, #tpu.memory_space<vmem>>, %arg13: memref<4096x128xf32, #tpu.memory_space<vmem_shared>>) attributes {dimension_semantics = [#tpu.dimension_semantics<core_parallel>, #tpu.dimension_semantics<subcore_parallel>], iteration_bounds = array<i64: 2, 16>, scalar_prefetch = 0 : i64, scratch_operands = 6 : i64, tpu.core_type = #tpu.core_type<sc_vector_subcore>, window_params = [{transform_indices = #map}, {transform_indices = #map1}, {transform_indices = #map1}, {transform_indices = #map2}, {transform_indices = #map}, {transform_indices = #map2}]} {
    %mul3A = arith.constant 16 : i32
    %mul3A_0 = arith.muli %arg0, %mul3A : i32
    %add3A = arith.addi %mul3A_0, %arg1 : i32
    %mul3A_1 = arith.constant 512 : i32
    %mul3A_2 = arith.muli %add3A, %mul3A_1 : i32
    "tpu.region"() ({
      %run_scoped3A_24 = tpu.sem_alloc : memref<!tpu.dma_semaphore, #tpu.memory_space<semaphore_mem>>
      %dma_start3A = tpu.memref_slice %arg4[%mul3A_2] : memref<16384xi32, #tpu.memory_space<hbm>> -> memref<512xi32, #tpu.memory_space<hbm>>
      %dma_start3A_25 = tpu.memref_slice %arg4[%mul3A_2] : memref<16384xi32, #tpu.memory_space<hbm>> -> memref<512xi32, #tpu.memory_space<hbm>>
      tpu.enqueue_dma source(%dma_start3A_25 : memref<512xi32, #tpu.memory_space<hbm>>) target(%arg8 : memref<512xi32, #tpu.memory_space<vmem>>) target_semaphore(%run_scoped3A_24 : memref<!tpu.dma_semaphore, #tpu.memory_space<semaphore_mem>>)
      %dma_wait3A = tpu.memref_slice %arg4[%mul3A_2] : memref<16384xi32, #tpu.memory_space<hbm>> -> memref<512xi32, #tpu.memory_space<hbm>>
      %dma_wait3A_26 = tpu.memref_slice %arg4[%mul3A_2] : memref<16384xi32, #tpu.memory_space<hbm>> -> memref<512xi32, #tpu.memory_space<hbm>>
      tpu.wait_dma2 semaphore(%run_scoped3A_24 : memref<!tpu.dma_semaphore, #tpu.memory_space<semaphore_mem>>) src(%dma_wait3A_26 : memref<512xi32, #tpu.memory_space<hbm>>) dst(%arg8 : memref<512xi32, #tpu.memory_space<vmem>>)
      tpu.yield
    }) : () -> ()
    "tpu.region"() ({
      %run_scoped3A_24 = tpu.sem_alloc : memref<!tpu.dma_semaphore, #tpu.memory_space<semaphore_mem>>
      %dma_start3A = arith.constant 0 : i32
      %dma_start3A_25 = arith.constant 0 : i32
      %dma_start3A_26 = tpu.memref_slice %arg5[%add3A, %dma_start3A, %dma_start3A_25] : memref<32x4x128xi32, #tpu.memory_space<hbm>> -> memref<1x4x128xi32, #tpu.memory_space<hbm>>
      %dma_start3A_27 = tpu.memref_squeeze %dma_start3A_26 : memref<1x4x128xi32, #tpu.memory_space<hbm>> -> memref<4x128xi32, #tpu.memory_space<hbm>>
      %dma_start3A_28 = arith.constant 0 : i32
      %dma_start3A_29 = arith.constant 0 : i32
      %dma_start3A_30 = tpu.memref_slice %arg5[%add3A, %dma_start3A_28, %dma_start3A_29] : memref<32x4x128xi32, #tpu.memory_space<hbm>> -> memref<1x4x128xi32, #tpu.memory_space<hbm>>
      %dma_start3A_31 = tpu.memref_squeeze %dma_start3A_30 : memref<1x4x128xi32, #tpu.memory_space<hbm>> -> memref<4x128xi32, #tpu.memory_space<hbm>>
      tpu.enqueue_dma source(%dma_start3A_31 : memref<4x128xi32, #tpu.memory_space<hbm>>) target(%arg9 : memref<4x128xi32, #tpu.memory_space<vmem>>) target_semaphore(%run_scoped3A_24 : memref<!tpu.dma_semaphore, #tpu.memory_space<semaphore_mem>>)
      %dma_wait3A = arith.constant 0 : i32
      %dma_wait3A_32 = arith.constant 0 : i32
      %dma_wait3A_33 = tpu.memref_slice %arg5[%add3A, %dma_wait3A, %dma_wait3A_32] : memref<32x4x128xi32, #tpu.memory_space<hbm>> -> memref<1x4x128xi32, #tpu.memory_space<hbm>>
      %dma_wait3A_34 = tpu.memref_squeeze %dma_wait3A_33 : memref<1x4x128xi32, #tpu.memory_space<hbm>> -> memref<4x128xi32, #tpu.memory_space<hbm>>
      %dma_wait3A_35 = arith.constant 0 : i32
      %dma_wait3A_36 = arith.constant 0 : i32
      %dma_wait3A_37 = tpu.memref_slice %arg5[%add3A, %dma_wait3A_35, %dma_wait3A_36] : memref<32x4x128xi32, #tpu.memory_space<hbm>> -> memref<1x4x128xi32, #tpu.memory_space<hbm>>
      %dma_wait3A_38 = tpu.memref_squeeze %dma_wait3A_37 : memref<1x4x128xi32, #tpu.memory_space<hbm>> -> memref<4x128xi32, #tpu.memory_space<hbm>>
      tpu.wait_dma2 semaphore(%run_scoped3A_24 : memref<!tpu.dma_semaphore, #tpu.memory_space<semaphore_mem>>) src(%dma_wait3A_38 : memref<4x128xi32, #tpu.memory_space<hbm>>) dst(%arg9 : memref<4x128xi32, #tpu.memory_space<vmem>>)
      tpu.yield
    }) : () -> ()
    "tpu.region"() ({
      %run_scoped3A_24 = tpu.sem_alloc : memref<!tpu.dma_semaphore, #tpu.memory_space<semaphore_mem>>
      tpu.enqueue_dma source(%arg3 : memref<2048xf32, #tpu.memory_space<hbm>>) target(%arg10 : memref<2048xf32, #tpu.memory_space<vmem>>) target_semaphore(%run_scoped3A_24 : memref<!tpu.dma_semaphore, #tpu.memory_space<semaphore_mem>>)
      tpu.wait_dma2 semaphore(%run_scoped3A_24 : memref<!tpu.dma_semaphore, #tpu.memory_space<semaphore_mem>>) src(%arg3 : memref<2048xf32, #tpu.memory_space<hbm>>) dst(%arg10 : memref<2048xf32, #tpu.memory_space<vmem>>)
      tpu.yield
    }) : () -> ()
    "tpu.region"() ({
      %run_scoped3A_24 = tpu.sem_alloc : memref<!tpu.dma_semaphore, #tpu.memory_space<semaphore_mem>>
      %dma_start3A = arith.constant 0 : i32
      %dma_start3A_25 = tpu.memref_slice %arg2[%mul3A_2, %dma_start3A] : memref<16384x128xf32, #tpu.memory_space<hbm>> -> memref<512x128xf32, #tpu.memory_space<hbm>>
      %dma_start3A_26 = arith.constant 0 : i32
      %dma_start3A_27 = tpu.memref_slice %arg2[%mul3A_2, %dma_start3A_26] : memref<16384x128xf32, #tpu.memory_space<hbm>> -> memref<512x128xf32, #tpu.memory_space<hbm>>
      tpu.enqueue_dma source(%dma_start3A_27 : memref<512x128xf32, #tpu.memory_space<hbm>>) target(%arg12 : memref<512x128xf32, #tpu.memory_space<vmem>>) target_semaphore(%run_scoped3A_24 : memref<!tpu.dma_semaphore, #tpu.memory_space<semaphore_mem>>)
      %dma_wait3A = arith.constant 0 : i32
      %dma_wait3A_28 = tpu.memref_slice %arg2[%mul3A_2, %dma_wait3A] : memref<16384x128xf32, #tpu.memory_space<hbm>> -> memref<512x128xf32, #tpu.memory_space<hbm>>
      %dma_wait3A_29 = arith.constant 0 : i32
      %dma_wait3A_30 = tpu.memref_slice %arg2[%mul3A_2, %dma_wait3A_29] : memref<16384x128xf32, #tpu.memory_space<hbm>> -> memref<512x128xf32, #tpu.memory_space<hbm>>
      tpu.wait_dma2 semaphore(%run_scoped3A_24 : memref<!tpu.dma_semaphore, #tpu.memory_space<semaphore_mem>>) src(%dma_wait3A_30 : memref<512x128xf32, #tpu.memory_space<hbm>>) dst(%arg12 : memref<512x128xf32, #tpu.memory_space<vmem>>)
      tpu.yield
    }) : () -> ()
    %mul3A_3 = arith.constant 256 : i32
    %mul3A_4 = arith.muli %arg1, %mul3A_3 : i32
    "tpu.region"() ({
      %run_scoped3A_24 = tpu.sem_alloc : memref<!tpu.dma_semaphore, #tpu.memory_space<semaphore_mem>>
      %dma_start3A = arith.constant 0 : i32
      %dma_start3A_25 = tpu.memref_slice %arg13[%mul3A_4, %dma_start3A] : memref<4096x128xf32, #tpu.memory_space<vmem_shared>> -> memref<256x128xf32, #tpu.memory_space<vmem_shared>>
      tpu.enqueue_dma source(%arg6 : memref<256x128xf32, #tpu.memory_space<hbm>>) target(%dma_start3A_25 : memref<256x128xf32, #tpu.memory_space<vmem_shared>>) target_semaphore(%run_scoped3A_24 : memref<!tpu.dma_semaphore, #tpu.memory_space<semaphore_mem>>)
      %dma_wait3A = arith.constant 0 : i32
      %dma_wait3A_26 = tpu.memref_slice %arg13[%mul3A_4, %dma_wait3A] : memref<4096x128xf32, #tpu.memory_space<vmem_shared>> -> memref<256x128xf32, #tpu.memory_space<vmem_shared>>
      tpu.wait_dma2 semaphore(%run_scoped3A_24 : memref<!tpu.dma_semaphore, #tpu.memory_space<semaphore_mem>>) src(%arg6 : memref<256x128xf32, #tpu.memory_space<hbm>>) dst(%dma_wait3A_26 : memref<256x128xf32, #tpu.memory_space<vmem_shared>>)
      tpu.yield
    }) : () -> ()
    %scan3A = arith.constant 0 : i32
    %scan3A_5 = arith.constant 0 : i32
    %scan3A_6 = arith.constant 32 : i32
    %scan3A_7 = arith.addi %scan3A_5, %scan3A_6 : i32
    %scan3A_8 = arith.constant 1 : i32
    scf.for %scan3A_24 = %scan3A_5 to %scan3A_7 step %scan3A_8  : i32 {
      %mul3A_25 = arith.constant 16 : i32
      %mul3A_26 = arith.muli %scan3A_24, %mul3A_25 : i32
      %get3A = arith.index_cast %mul3A_26 : i32 to index
      %get3A_27 = tpu.vector_load %arg8[%get3A] {strides = array<i32>} : memref<512xi32, #tpu.memory_space<vmem>>, vector<16xi32>,
      %gather3A = tpu.vector_load_idx %arg10[%get3A_27] : memref<2048xf32, #tpu.memory_space<vmem>>[vector<16xi32>], vector<16xf32>,
      %swap3A = arith.index_cast %mul3A_26 : i32 to index
      %swap3A_28 = tpu.vector_load %arg11[%swap3A] {strides = array<i32>} : memref<512xf32, #tpu.memory_space<vmem>>, vector<16xf32>,
      tpu.vector_store %arg11[%swap3A], %gather3A {strides = array<i32>} : memref<512xf32, #tpu.memory_space<vmem>>, vector<16xf32>,
    }
    %scan3A_9 = arith.constant 32 : i32
    %scan3A_10 = arith.constant 0 : i32
    %scan3A_11 = arith.constant 0 : i32
    %scan3A_12 = arith.constant 32 : i32
    %scan3A_13 = arith.addi %scan3A_11, %scan3A_12 : i32
    %scan3A_14 = arith.constant 1 : i32
    scf.for %scan3A_24 = %scan3A_11 to %scan3A_13 step %scan3A_14  : i32 {
      %mul3A_25 = arith.constant 16 : i32
      %mul3A_26 = arith.muli %scan3A_24, %mul3A_25 : i32
      %get3A = arith.index_cast %mul3A_26 : i32 to index
      %get3A_27 = tpu.vector_load %arg11[%get3A] {strides = array<i32>} : memref<512xf32, #tpu.memory_space<vmem>>, vector<16xf32>,
      %mul3A_28 = arith.constant 16 : i32
      %mul3A_29 = arith.muli %scan3A_24, %mul3A_28 : i32
      %add3A_30 = arith.constant 0 : i32
      %add3A_31 = arith.addi %mul3A_29, %add3A_30 : i32
      %slice3A = vector.extract_strided_slice %get3A_27 {offsets = [0], sizes = [1], strides = [1]} : vector<16xf32> to vector<1xf32>
      %squeeze3A = vector.extract %slice3A[0] : f32 from vector<1xf32>
      %get3A_32 = arith.index_cast %add3A_31 : i32 to index
      %get3A_33 = arith.constant 0 : index
      %get3A_34 = tpu.vector_load %arg12[%get3A_32, %get3A_33] {strides = array<i32>} : memref<512x128xf32, #tpu.memory_space<vmem>>, vector<16xf32>,
      %mul3A_35 = vector.broadcast %squeeze3A : f32 to vector<16xf32>
      %mul3A_36 = arith.mulf %get3A_34, %mul3A_35 : vector<16xf32>
      %swap3A = arith.index_cast %add3A_31 : i32 to index
      %swap3A_37 = arith.constant 0 : index
      %swap3A_38 = tpu.vector_load %arg12[%swap3A, %swap3A_37] {strides = array<i32>} : memref<512x128xf32, #tpu.memory_space<vmem>>, vector<16xf32>,
      tpu.vector_store %arg12[%swap3A, %swap3A_37], %mul3A_36 {strides = array<i32>} : memref<512x128xf32, #tpu.memory_space<vmem>>, vector<16xf32>,
      %get3A_39 = arith.index_cast %add3A_31 : i32 to index
      %get3A_40 = arith.constant 16 : index
      %get3A_41 = tpu.vector_load %arg12[%get3A_39, %get3A_40] {strides = array<i32>} : memref<512x128xf32, #tpu.memory_space<vmem>>, vector<16xf32>,
      %mul3A_42 = vector.broadcast %squeeze3A : f32 to vector<16xf32>
      %mul3A_43 = arith.mulf %get3A_41, %mul3A_42 : vector<16xf32>
      %swap3A_44 = arith.index_cast %add3A_31 : i32 to index
      %swap3A_45 = arith.constant 16 : index
      %swap3A_46 = tpu.vector_load %arg12[%swap3A_44, %swap3A_45] {strides = array<i32>} : memref<512x128xf32, #tpu.memory_space<vmem>>, vector<16xf32>,
      tpu.vector_store %arg12[%swap3A_44, %swap3A_45], %mul3A_43 {strides = array<i32>} : memref<512x128xf32, #tpu.memory_space<vmem>>, vector<16xf32>,
      %get3A_47 = arith.index_cast %add3A_31 : i32 to index
      %get3A_48 = arith.constant 32 : index
      %get3A_49 = tpu.vector_load %arg12[%get3A_47, %get3A_48] {strides = array<i32>} : memref<512x128xf32, #tpu.memory_space<vmem>>, vector<16xf32>,
      %mul3A_50 = vector.broadcast %squeeze3A : f32 to vector<16xf32>
      %mul3A_51 = arith.mulf %get3A_49, %mul3A_50 : vector<16xf32>
      %swap3A_52 = arith.index_cast %add3A_31 : i32 to index
      %swap3A_53 = arith.constant 32 : index
      %swap3A_54 = tpu.vector_load %arg12[%swap3A_52, %swap3A_53] {strides = array<i32>} : memref<512x128xf32, #tpu.memory_space<vmem>>, vector<16xf32>,
      tpu.vector_store %arg12[%swap3A_52, %swap3A_53], %mul3A_51 {strides = array<i32>} : memref<512x128xf32, #tpu.memory_space<vmem>>, vector<16xf32>,
      %get3A_55 = arith.index_cast %add3A_31 : i32 to index
      %get3A_56 = arith.constant 48 : index
      %get3A_57 = tpu.vector_load %arg12[%get3A_55, %get3A_56] {strides = array<i32>} : memref<512x128xf32, #tpu.memory_space<vmem>>, vector<16xf32>,
      %mul3A_58 = vector.broadcast %squeeze3A : f32 to vector<16xf32>
      %mul3A_59 = arith.mulf %get3A_57, %mul3A_58 : vector<16xf32>
      %swap3A_60 = arith.index_cast %add3A_31 : i32 to index
      %swap3A_61 = arith.constant 48 : index
      %swap3A_62 = tpu.vector_load %arg12[%swap3A_60, %swap3A_61] {strides = array<i32>} : memref<512x128xf32, #tpu.memory_space<vmem>>, vector<16xf32>,
      tpu.vector_store %arg12[%swap3A_60, %swap3A_61], %mul3A_59 {strides = array<i32>} : memref<512x128xf32, #tpu.memory_space<vmem>>, vector<16xf32>,
      %mul3A_63 = arith.constant 16 : i32
      %mul3A_64 = arith.muli %scan3A_24, %mul3A_63 : i32
      %add3A_65 = arith.constant 1 : i32
      %add3A_66 = arith.addi %mul3A_64, %add3A_65 : i32
      %slice3A_67 = vector.extract_strided_slice %get3A_27 {offsets = [1], sizes = [1], strides = [1]} : vector<16xf32> to vector<1xf32>
      %squeeze3A_68 = vector.extract %slice3A_67[0] : f32 from vector<1xf32>
      %get3A_69 = arith.index_cast %add3A_66 : i32 to index
      %get3A_70 = arith.constant 0 : index
      %get3A_71 = tpu.vector_load %arg12[%get3A_69, %get3A_70] {strides = array<i32>} : memref<512x128xf32, #tpu.memory_space<vmem>>, vector<16xf32>,
      %mul3A_72 = vector.broadcast %squeeze3A_68 : f32 to vector<16xf32>
      %mul3A_73 = arith.mulf %get3A_71, %mul3A_72 : vector<16xf32>
      %swap3A_74 = arith.index_cast %add3A_66 : i32 to index
      %swap3A_75 = arith.constant 0 : index
      %swap3A_76 = tpu.vector_load %arg12[%swap3A_74, %swap3A_75] {strides = array<i32>} : memref<512x128xf32, #tpu.memory_space<vmem>>, vector<16xf32>,
      tpu.vector_store %arg12[%swap3A_74, %swap3A_75], %mul3A_73 {strides = array<i32>} : memref<512x128xf32, #tpu.memory_space<vmem>>, vector<16xf32>,
      %get3A_77 = arith.index_cast %add3A_66 : i32 to index
      %get3A_78 = arith.constant 16 : index
      %get3A_79 = tpu.vector_load %arg12[%get3A_77, %get3A_78] {strides = array<i32>} : memref<512x128xf32, #tpu.memory_space<vmem>>, vector<16xf32>,
      %mul3A_80 = vector.broadcast %squeeze3A_68 : f32 to vector<16xf32>
      %mul3A_81 = arith.mulf %get3A_79, %mul3A_80 : vector<16xf32>
      %swap3A_82 = arith.index_cast %add3A_66 : i32 to index
      %swap3A_83 = arith.constant 16 : index
      %swap3A_84 = tpu.vector_load %arg12[%swap3A_82, %swap3A_83] {strides = array<i32>} : memref<512x128xf32, #tpu.memory_space<vmem>>, vector<16xf32>,
      tpu.vector_store %arg12[%swap3A_82, %swap3A_83], %mul3A_81 {strides = array<i32>} : memref<512x128xf32, #tpu.memory_space<vmem>>, vector<16xf32>,
      %get3A_85 = arith.index_cast %add3A_66 : i32 to index
      %get3A_86 = arith.constant 32 : index
      %get3A_87 = tpu.vector_load %arg12[%get3A_85, %get3A_86] {strides = array<i32>} : memref<512x128xf32, #tpu.memory_space<vmem>>, vector<16xf32>,
      %mul3A_88 = vector.broadcast %squeeze3A_68 : f32 to vector<16xf32>
      %mul3A_89 = arith.mulf %get3A_87, %mul3A_88 : vector<16xf32>
      %swap3A_90 = arith.index_cast %add3A_66 : i32 to index
      %swap3A_91 = arith.constant 32 : index
      %swap3A_92 = tpu.vector_load %arg12[%swap3A_90, %swap3A_91] {strides = array<i32>} : memref<512x128xf32, #tpu.memory_space<vmem>>, vector<16xf32>,
      tpu.vector_store %arg12[%swap3A_90, %swap3A_91], %mul3A_89 {strides = array<i32>} : memref<512x128xf32, #tpu.memory_space<vmem>>, vector<16xf32>,
      %get3A_93 = arith.index_cast %add3A_66 : i32 to index
      %get3A_94 = arith.constant 48 : index
      %get3A_95 = tpu.vector_load %arg12[%get3A_93, %get3A_94] {strides = array<i32>} : memref<512x128xf32, #tpu.memory_space<vmem>>, vector<16xf32>,
      %mul3A_96 = vector.broadcast %squeeze3A_68 : f32 to vector<16xf32>
      %mul3A_97 = arith.mulf %get3A_95, %mul3A_96 : vector<16xf32>
      %swap3A_98 = arith.index_cast %add3A_66 : i32 to index
      %swap3A_99 = arith.constant 48 : index
      %swap3A_100 = tpu.vector_load %arg12[%swap3A_98, %swap3A_99] {strides = array<i32>} : memref<512x128xf32, #tpu.memory_space<vmem>>, vector<16xf32>,
      tpu.vector_store %arg12[%swap3A_98, %swap3A_99], %mul3A_97 {strides = array<i32>} : memref<512x128xf32, #tpu.memory_space<vmem>>, vector<16xf32>,
      %mul3A_101 = arith.constant 16 : i32
      %mul3A_102 = arith.muli %scan3A_24, %mul3A_101 : i32
      %add3A_103 = arith.constant 2 : i32
      %add3A_104 = arith.addi %mul3A_102, %add3A_103 : i32
      %slice3A_105 = vector.extract_strided_slice %get3A_27 {offsets = [2], sizes = [1], strides = [1]} : vector<16xf32> to vector<1xf32>
      %squeeze3A_106 = vector.extract %slice3A_105[0] : f32 from vector<1xf32>
      %get3A_107 = arith.index_cast %add3A_104 : i32 to index
      %get3A_108 = arith.constant 0 : index
      %get3A_109 = tpu.vector_load %arg12[%get3A_107, %get3A_108] {strides = array<i32>} : memref<512x128xf32, #tpu.memory_space<vmem>>, vector<16xf32>,
      %mul3A_110 = vector.broadcast %squeeze3A_106 : f32 to vector<16xf32>
      %mul3A_111 = arith.mulf %get3A_109, %mul3A_110 : vector<16xf32>
      %swap3A_112 = arith.index_cast %add3A_104 : i32 to index
      %swap3A_113 = arith.constant 0 : index
      %swap3A_114 = tpu.vector_load %arg12[%swap3A_112, %swap3A_113] {strides = array<i32>} : memref<512x128xf32, #tpu.memory_space<vmem>>, vector<16xf32>,
      tpu.vector_store %arg12[%swap3A_112, %swap3A_113], %mul3A_111 {strides = array<i32>} : memref<512x128xf32, #tpu.memory_space<vmem>>, vector<16xf32>,
      %get3A_115 = arith.index_cast %add3A_104 : i32 to index
      %get3A_116 = arith.constant 16 : index
      %get3A_117 = tpu.vector_load %arg12[%get3A_115, %get3A_116] {strides = array<i32>} : memref<512x128xf32, #tpu.memory_space<vmem>>, vector<16xf32>,
      %mul3A_118 = vector.broadcast %squeeze3A_106 : f32 to vector<16xf32>
      %mul3A_119 = arith.mulf %get3A_117, %mul3A_118 : vector<16xf32>
      %swap3A_120 = arith.index_cast %add3A_104 : i32 to index
      %swap3A_121 = arith.constant 16 : index
      %swap3A_122 = tpu.vector_load %arg12[%swap3A_120, %swap3A_121] {strides = array<i32>} : memref<512x128xf32, #tpu.memory_space<vmem>>, vector<16xf32>,
      tpu.vector_store %arg12[%swap3A_120, %swap3A_121], %mul3A_119 {strides = array<i32>} : memref<512x128xf32, #tpu.memory_space<vmem>>, vector<16xf32>,
      %get3A_123 = arith.index_cast %add3A_104 : i32 to index
      %get3A_124 = arith.constant 32 : index
      %get3A_125 = tpu.vector_load %arg12[%get3A_123, %get3A_124] {strides = array<i32>} : memref<512x128xf32, #tpu.memory_space<vmem>>, vector<16xf32>,
      %mul3A_126 = vector.broadcast %squeeze3A_106 : f32 to vector<16xf32>
      %mul3A_127 = arith.mulf %get3A_125, %mul3A_126 : vector<16xf32>
      %swap3A_128 = arith.index_cast %add3A_104 : i32 to index
      %swap3A_129 = arith.constant 32 : index
      %swap3A_130 = tpu.vector_load %arg12[%swap3A_128, %swap3A_129] {strides = array<i32>} : memref<512x128xf32, #tpu.memory_space<vmem>>, vector<16xf32>,
      tpu.vector_store %arg12[%swap3A_128, %swap3A_129], %mul3A_127 {strides = array<i32>} : memref<512x128xf32, #tpu.memory_space<vmem>>, vector<16xf32>,
      %get3A_131 = arith.index_cast %add3A_104 : i32 to index
      %get3A_132 = arith.constant 48 : index
      %get3A_133 = tpu.vector_load %arg12[%get3A_131, %get3A_132] {strides = array<i32>} : memref<512x128xf32, #tpu.memory_space<vmem>>, vector<16xf32>,
      %mul3A_134 = vector.broadcast %squeeze3A_106 : f32 to vector<16xf32>
      %mul3A_135 = arith.mulf %get3A_133, %mul3A_134 : vector<16xf32>
      %swap3A_136 = arith.index_cast %add3A_104 : i32 to index
      %swap3A_137 = arith.constant 48 : index
      %swap3A_138 = tpu.vector_load %arg12[%swap3A_136, %swap3A_137] {strides = array<i32>} : memref<512x128xf32, #tpu.memory_space<vmem>>, vector<16xf32>,
      tpu.vector_store %arg12[%swap3A_136, %swap3A_137], %mul3A_135 {strides = array<i32>} : memref<512x128xf32, #tpu.memory_space<vmem>>, vector<16xf32>,
      %mul3A_139 = arith.constant 16 : i32
      %mul3A_140 = arith.muli %scan3A_24, %mul3A_139 : i32
      %add3A_141 = arith.constant 3 : i32
      %add3A_142 = arith.addi %mul3A_140, %add3A_141 : i32
      %slice3A_143 = vector.extract_strided_slice %get3A_27 {offsets = [3], sizes = [1], strides = [1]} : vector<16xf32> to vector<1xf32>
      %squeeze3A_144 = vector.extract %slice3A_143[0] : f32 from vector<1xf32>
      %get3A_145 = arith.index_cast %add3A_142 : i32 to index
      %get3A_146 = arith.constant 0 : index
      %get3A_147 = tpu.vector_load %arg12[%get3A_145, %get3A_146] {strides = array<i32>} : memref<512x128xf32, #tpu.memory_space<vmem>>, vector<16xf32>,
      %mul3A_148 = vector.broadcast %squeeze3A_144 : f32 to vector<16xf32>
      %mul3A_149 = arith.mulf %get3A_147, %mul3A_148 : vector<16xf32>
      %swap3A_150 = arith.index_cast %add3A_142 : i32 to index
      %swap3A_151 = arith.constant 0 : index
      %swap3A_152 = tpu.vector_load %arg12[%swap3A_150, %swap3A_151] {strides = array<i32>} : memref<512x128xf32, #tpu.memory_space<vmem>>, vector<16xf32>,
      tpu.vector_store %arg12[%swap3A_150, %swap3A_151], %mul3A_149 {strides = array<i32>} : memref<512x128xf32, #tpu.memory_space<vmem>>, vector<16xf32>,
      %get3A_153 = arith.index_cast %add3A_142 : i32 to index
      %get3A_154 = arith.constant 16 : index
      %get3A_155 = tpu.vector_load %arg12[%get3A_153, %get3A_154] {strides = array<i32>} : memref<512x128xf32, #tpu.memory_space<vmem>>, vector<16xf32>,
      %mul3A_156 = vector.broadcast %squeeze3A_144 : f32 to vector<16xf32>
      %mul3A_157 = arith.mulf %get3A_155, %mul3A_156 : vector<16xf32>
      %swap3A_158 = arith.index_cast %add3A_142 : i32 to index
      %swap3A_159 = arith.constant 16 : index
      %swap3A_160 = tpu.vector_load %arg12[%swap3A_158, %swap3A_159] {strides = array<i32>} : memref<512x128xf32, #tpu.memory_space<vmem>>, vector<16xf32>,
      tpu.vector_store %arg12[%swap3A_158, %swap3A_159], %mul3A_157 {strides = array<i32>} : memref<512x128xf32, #tpu.memory_space<vmem>>, vector<16xf32>,
      %get3A_161 = arith.index_cast %add3A_142 : i32 to index
      %get3A_162 = arith.constant 32 : index
      %get3A_163 = tpu.vector_load %arg12[%get3A_161, %get3A_162] {strides = array<i32>} : memref<512x128xf32, #tpu.memory_space<vmem>>, vector<16xf32>,
      %mul3A_164 = vector.broadcast %squeeze3A_144 : f32 to vector<16xf32>
      %mul3A_165 = arith.mulf %get3A_163, %mul3A_164 : vector<16xf32>
      %swap3A_166 = arith.index_cast %add3A_142 : i32 to index
      %swap3A_167 = arith.constant 32 : index
      %swap3A_168 = tpu.vector_load %arg12[%swap3A_166, %swap3A_167] {strides = array<i32>} : memref<512x128xf32, #tpu.memory_space<vmem>>, vector<16xf32>,
      tpu.vector_store %arg12[%swap3A_166, %swap3A_167], %mul3A_165 {strides = array<i32>} : memref<512x128xf32, #tpu.memory_space<vmem>>, vector<16xf32>,
      %get3A_169 = arith.index_cast %add3A_142 : i32 to index
      %get3A_170 = arith.constant 48 : index
      %get3A_171 = tpu.vector_load %arg12[%get3A_169, %get3A_170] {strides = array<i32>} : memref<512x128xf32, #tpu.memory_space<vmem>>, vector<16xf32>,
      %mul3A_172 = vector.broadcast %squeeze3A_144 : f32 to vector<16xf32>
      %mul3A_173 = arith.mulf %get3A_171, %mul3A_172 : vector<16xf32>
      %swap3A_174 = arith.index_cast %add3A_142 : i32 to index
      %swap3A_175 = arith.constant 48 : index
      %swap3A_176 = tpu.vector_load %arg12[%swap3A_174, %swap3A_175] {strides = array<i32>} : memref<512x128xf32, #tpu.memory_space<vmem>>, vector<16xf32>,
      tpu.vector_store %arg12[%swap3A_174, %swap3A_175], %mul3A_173 {strides = array<i32>} : memref<512x128xf32, #tpu.memory_space<vmem>>, vector<16xf32>,
      %mul3A_177 = arith.constant 16 : i32
      %mul3A_178 = arith.muli %scan3A_24, %mul3A_177 : i32
      %add3A_179 = arith.constant 4 : i32
      %add3A_180 = arith.addi %mul3A_178, %add3A_179 : i32
      %slice3A_181 = vector.extract_strided_slice %get3A_27 {offsets = [4], sizes = [1], strides = [1]} : vector<16xf32> to vector<1xf32>
      %squeeze3A_182 = vector.extract %slice3A_181[0] : f32 from vector<1xf32>
      %get3A_183 = arith.index_cast %add3A_180 : i32 to index
      %get3A_184 = arith.constant 0 : index
      %get3A_185 = tpu.vector_load %arg12[%get3A_183, %get3A_184] {strides = array<i32>} : memref<512x128xf32, #tpu.memory_space<vmem>>, vector<16xf32>,
      %mul3A_186 = vector.broadcast %squeeze3A_182 : f32 to vector<16xf32>
      %mul3A_187 = arith.mulf %get3A_185, %mul3A_186 : vector<16xf32>
      %swap3A_188 = arith.index_cast %add3A_180 : i32 to index
      %swap3A_189 = arith.constant 0 : index
      %swap3A_190 = tpu.vector_load %arg12[%swap3A_188, %swap3A_189] {strides = array<i32>} : memref<512x128xf32, #tpu.memory_space<vmem>>, vector<16xf32>,
      tpu.vector_store %arg12[%swap3A_188, %swap3A_189], %mul3A_187 {strides = array<i32>} : memref<512x128xf32, #tpu.memory_space<vmem>>, vector<16xf32>,
      %get3A_191 = arith.index_cast %add3A_180 : i32 to index
      %get3A_192 = arith.constant 16 : index
      %get3A_193 = tpu.vector_load %arg12[%get3A_191, %get3A_192] {strides = array<i32>} : memref<512x128xf32, #tpu.memory_space<vmem>>, vector<16xf32>,
      %mul3A_194 = vector.broadcast %squeeze3A_182 : f32 to vector<16xf32>
      %mul3A_195 = arith.mulf %get3A_193, %mul3A_194 : vector<16xf32>
      %swap3A_196 = arith.index_cast %add3A_180 : i32 to index
      %swap3A_197 = arith.constant 16 : index
      %swap3A_198 = tpu.vector_load %arg12[%swap3A_196, %swap3A_197] {strides = array<i32>} : memref<512x128xf32, #tpu.memory_space<vmem>>, vector<16xf32>,
      tpu.vector_store %arg12[%swap3A_196, %swap3A_197], %mul3A_195 {strides = array<i32>} : memref<512x128xf32, #tpu.memory_space<vmem>>, vector<16xf32>,
      %get3A_199 = arith.index_cast %add3A_180 : i32 to index
      %get3A_200 = arith.constant 32 : index
      %get3A_201 = tpu.vector_load %arg12[%get3A_199, %get3A_200] {strides = array<i32>} : memref<512x128xf32, #tpu.memory_space<vmem>>, vector<16xf32>,
      %mul3A_202 = vector.broadcast %squeeze3A_182 : f32 to vector<16xf32>
      %mul3A_203 = arith.mulf %get3A_201, %mul3A_202 : vector<16xf32>
      %swap3A_204 = arith.index_cast %add3A_180 : i32 to index
      %swap3A_205 = arith.constant 32 : index
      %swap3A_206 = tpu.vector_load %arg12[%swap3A_204, %swap3A_205] {strides = array<i32>} : memref<512x128xf32, #tpu.memory_space<vmem>>, vector<16xf32>,
      tpu.vector_store %arg12[%swap3A_204, %swap3A_205], %mul3A_203 {strides = array<i32>} : memref<512x128xf32, #tpu.memory_space<vmem>>, vector<16xf32>,
      %get3A_207 = arith.index_cast %add3A_180 : i32 to index
      %get3A_208 = arith.constant 48 : index
      %get3A_209 = tpu.vector_load %arg12[%get3A_207, %get3A_208] {strides = array<i32>} : memref<512x128xf32, #tpu.memory_space<vmem>>, vector<16xf32>,
      %mul3A_210 = vector.broadcast %squeeze3A_182 : f32 to vector<16xf32>
      %mul3A_211 = arith.mulf %get3A_209, %mul3A_210 : vector<16xf32>
      %swap3A_212 = arith.index_cast %add3A_180 : i32 to index
      %swap3A_213 = arith.constant 48 : index
      %swap3A_214 = tpu.vector_load %arg12[%swap3A_212, %swap3A_213] {strides = array<i32>} : memref<512x128xf32, #tpu.memory_space<vmem>>, vector<16xf32>,
      tpu.vector_store %arg12[%swap3A_212, %swap3A_213], %mul3A_211 {strides = array<i32>} : memref<512x128xf32, #tpu.memory_space<vmem>>, vector<16xf32>,
      %mul3A_215 = arith.constant 16 : i32
      %mul3A_216 = arith.muli %scan3A_24, %mul3A_215 : i32
      %add3A_217 = arith.constant 5 : i32
      %add3A_218 = arith.addi %mul3A_216, %add3A_217 : i32
      %slice3A_219 = vector.extract_strided_slice %get3A_27 {offsets = [5], sizes = [1], strides = [1]} : vector<16xf32> to vector<1xf32>
      %squeeze3A_220 = vector.extract %slice3A_219[0] : f32 from vector<1xf32>
      %get3A_221 = arith.index_cast %add3A_218 : i32 to index
      %get3A_222 = arith.constant 0 : index
      %get3A_223 = tpu.vector_load %arg12[%get3A_221, %get3A_222] {strides = array<i32>} : memref<512x128xf32, #tpu.memory_space<vmem>>, vector<16xf32>,
      %mul3A_224 = vector.broadcast %squeeze3A_220 : f32 to vector<16xf32>
      %mul3A_225 = arith.mulf %get3A_223, %mul3A_224 : vector<16xf32>
      %swap3A_226 = arith.index_cast %add3A_218 : i32 to index
      %swap3A_227 = arith.constant 0 : index
      %swap3A_228 = tpu.vector_load %arg12[%swap3A_226, %swap3A_227] {strides = array<i32>} : memref<512x128xf32, #tpu.memory_space<vmem>>, vector<16xf32>,
      tpu.vector_store %arg12[%swap3A_226, %swap3A_227], %mul3A_225 {strides = array<i32>} : memref<512x128xf32, #tpu.memory_space<vmem>>, vector<16xf32>,
      %get3A_229 = arith.index_cast %add3A_218 : i32 to index
      %get3A_230 = arith.constant 16 : index
      %get3A_231 = tpu.vector_load %arg12[%get3A_229, %get3A_230] {strides = array<i32>} : memref<512x128xf32, #tpu.memory_space<vmem>>, vector<16xf32>,
      %mul3A_232 = vector.broadcast %squeeze3A_220 : f32 to vector<16xf32>
      %mul3A_233 = arith.mulf %get3A_231, %mul3A_232 : vector<16xf32>
      %swap3A_234 = arith.index_cast %add3A_218 : i32 to index
      %swap3A_235 = arith.constant 16 : index
      %swap3A_236 = tpu.vector_load %arg12[%swap3A_234, %swap3A_235] {strides = array<i32>} : memref<512x128xf32, #tpu.memory_space<vmem>>, vector<16xf32>,
      tpu.vector_store %arg12[%swap3A_234, %swap3A_235], %mul3A_233 {strides = array<i32>} : memref<512x128xf32, #tpu.memory_space<vmem>>, vector<16xf32>,
      %get3A_237 = arith.index_cast %add3A_218 : i32 to index
      %get3A_238 = arith.constant 32 : index
      %get3A_239 = tpu.vector_load %arg12[%get3A_237, %get3A_238] {strides = array<i32>} : memref<512x128xf32, #tpu.memory_space<vmem>>, vector<16xf32>,
      %mul3A_240 = vector.broadcast %squeeze3A_220 : f32 to vector<16xf32>
      %mul3A_241 = arith.mulf %get3A_239, %mul3A_240 : vector<16xf32>
      %swap3A_242 = arith.index_cast %add3A_218 : i32 to index
      %swap3A_243 = arith.constant 32 : index
      %swap3A_244 = tpu.vector_load %arg12[%swap3A_242, %swap3A_243] {strides = array<i32>} : memref<512x128xf32, #tpu.memory_space<vmem>>, vector<16xf32>,
      tpu.vector_store %arg12[%swap3A_242, %swap3A_243], %mul3A_241 {strides = array<i32>} : memref<512x128xf32, #tpu.memory_space<vmem>>, vector<16xf32>,
      %get3A_245 = arith.index_cast %add3A_218 : i32 to index
      %get3A_246 = arith.constant 48 : index
      %get3A_247 = tpu.vector_load %arg12[%get3A_245, %get3A_246] {strides = array<i32>} : memref<512x128xf32, #tpu.memory_space<vmem>>, vector<16xf32>,
      %mul3A_248 = vector.broadcast %squeeze3A_220 : f32 to vector<16xf32>
      %mul3A_249 = arith.mulf %get3A_247, %mul3A_248 : vector<16xf32>
      %swap3A_250 = arith.index_cast %add3A_218 : i32 to index
      %swap3A_251 = arith.constant 48 : index
      %swap3A_252 = tpu.vector_load %arg12[%swap3A_250, %swap3A_251] {strides = array<i32>} : memref<512x128xf32, #tpu.memory_space<vmem>>, vector<16xf32>,
      tpu.vector_store %arg12[%swap3A_250, %swap3A_251], %mul3A_249 {strides = array<i32>} : memref<512x128xf32, #tpu.memory_space<vmem>>, vector<16xf32>,
      %mul3A_253 = arith.constant 16 : i32
      %mul3A_254 = arith.muli %scan3A_24, %mul3A_253 : i32
      %add3A_255 = arith.constant 6 : i32
      %add3A_256 = arith.addi %mul3A_254, %add3A_255 : i32
      %slice3A_257 = vector.extract_strided_slice %get3A_27 {offsets = [6], sizes = [1], strides = [1]} : vector<16xf32> to vector<1xf32>
      %squeeze3A_258 = vector.extract %slice3A_257[0] : f32 from vector<1xf32>
      %get3A_259 = arith.index_cast %add3A_256 : i32 to index
      %get3A_260 = arith.constant 0 : index
      %get3A_261 = tpu.vector_load %arg12[%get3A_259, %get3A_260] {strides = array<i32>} : memref<512x128xf32, #tpu.memory_space<vmem>>, vector<16xf32>,
      %mul3A_262 = vector.broadcast %squeeze3A_258 : f32 to vector<16xf32>
      %mul3A_263 = arith.mulf %get3A_261, %mul3A_262 : vector<16xf32>
      %swap3A_264 = arith.index_cast %add3A_256 : i32 to index
      %swap3A_265 = arith.constant 0 : index
      %swap3A_266 = tpu.vector_load %arg12[%swap3A_264, %swap3A_265] {strides = array<i32>} : memref<512x128xf32, #tpu.memory_space<vmem>>, vector<16xf32>,
      tpu.vector_store %arg12[%swap3A_264, %swap3A_265], %mul3A_263 {strides = array<i32>} : memref<512x128xf32, #tpu.memory_space<vmem>>, vector<16xf32>,
      %get3A_267 = arith.index_cast %add3A_256 : i32 to index
      %get3A_268 = arith.constant 16 : index
      %get3A_269 = tpu.vector_load %arg12[%get3A_267, %get3A_268] {strides = array<i32>} : memref<512x128xf32, #tpu.memory_space<vmem>>, vector<16xf32>,
      %mul3A_270 = vector.broadcast %squeeze3A_258 : f32 to vector<16xf32>
      %mul3A_271 = arith.mulf %get3A_269, %mul3A_270 : vector<16xf32>
      %swap3A_272 = arith.index_cast %add3A_256 : i32 to index
      %swap3A_273 = arith.constant 16 : index
      %swap3A_274 = tpu.vector_load %arg12[%swap3A_272, %swap3A_273] {strides = array<i32>} : memref<512x128xf32, #tpu.memory_space<vmem>>, vector<16xf32>,
      tpu.vector_store %arg12[%swap3A_272, %swap3A_273], %mul3A_271 {strides = array<i32>} : memref<512x128xf32, #tpu.memory_space<vmem>>, vector<16xf32>,
      %get3A_275 = arith.index_cast %add3A_256 : i32 to index
      %get3A_276 = arith.constant 32 : index
      %get3A_277 = tpu.vector_load %arg12[%get3A_275, %get3A_276] {strides = array<i32>} : memref<512x128xf32, #tpu.memory_space<vmem>>, vector<16xf32>,
      %mul3A_278 = vector.broadcast %squeeze3A_258 : f32 to vector<16xf32>
      %mul3A_279 = arith.mulf %get3A_277, %mul3A_278 : vector<16xf32>
      %swap3A_280 = arith.index_cast %add3A_256 : i32 to index
      %swap3A_281 = arith.constant 32 : index
      %swap3A_282 = tpu.vector_load %arg12[%swap3A_280, %swap3A_281] {strides = array<i32>} : memref<512x128xf32, #tpu.memory_space<vmem>>, vector<16xf32>,
      tpu.vector_store %arg12[%swap3A_280, %swap3A_281], %mul3A_279 {strides = array<i32>} : memref<512x128xf32, #tpu.memory_space<vmem>>, vector<16xf32>,
      %get3A_283 = arith.index_cast %add3A_256 : i32 to index
      %get3A_284 = arith.constant 48 : index
      %get3A_285 = tpu.vector_load %arg12[%get3A_283, %get3A_284] {strides = array<i32>} : memref<512x128xf32, #tpu.memory_space<vmem>>, vector<16xf32>,
      %mul3A_286 = vector.broadcast %squeeze3A_258 : f32 to vector<16xf32>
      %mul3A_287 = arith.mulf %get3A_285, %mul3A_286 : vector<16xf32>
      %swap3A_288 = arith.index_cast %add3A_256 : i32 to index
      %swap3A_289 = arith.constant 48 : index
      %swap3A_290 = tpu.vector_load %arg12[%swap3A_288, %swap3A_289] {strides = array<i32>} : memref<512x128xf32, #tpu.memory_space<vmem>>, vector<16xf32>,
      tpu.vector_store %arg12[%swap3A_288, %swap3A_289], %mul3A_287 {strides = array<i32>} : memref<512x128xf32, #tpu.memory_space<vmem>>, vector<16xf32>,
      %mul3A_291 = arith.constant 16 : i32
      %mul3A_292 = arith.muli %scan3A_24, %mul3A_291 : i32
      %add3A_293 = arith.constant 7 : i32
      %add3A_294 = arith.addi %mul3A_292, %add3A_293 : i32
      %slice3A_295 = vector.extract_strided_slice %get3A_27 {offsets = [7], sizes = [1], strides = [1]} : vector<16xf32> to vector<1xf32>
      %squeeze3A_296 = vector.extract %slice3A_295[0] : f32 from vector<1xf32>
      %get3A_297 = arith.index_cast %add3A_294 : i32 to index
      %get3A_298 = arith.constant 0 : index
      %get3A_299 = tpu.vector_load %arg12[%get3A_297, %get3A_298] {strides = array<i32>} : memref<512x128xf32, #tpu.memory_space<vmem>>, vector<16xf32>,
      %mul3A_300 = vector.broadcast %squeeze3A_296 : f32 to vector<16xf32>
      %mul3A_301 = arith.mulf %get3A_299, %mul3A_300 : vector<16xf32>
      %swap3A_302 = arith.index_cast %add3A_294 : i32 to index
      %swap3A_303 = arith.constant 0 : index
      %swap3A_304 = tpu.vector_load %arg12[%swap3A_302, %swap3A_303] {strides = array<i32>} : memref<512x128xf32, #tpu.memory_space<vmem>>, vector<16xf32>,
      tpu.vector_store %arg12[%swap3A_302, %swap3A_303], %mul3A_301 {strides = array<i32>} : memref<512x128xf32, #tpu.memory_space<vmem>>, vector<16xf32>,
      %get3A_305 = arith.index_cast %add3A_294 : i32 to index
      %get3A_306 = arith.constant 16 : index
      %get3A_307 = tpu.vector_load %arg12[%get3A_305, %get3A_306] {strides = array<i32>} : memref<512x128xf32, #tpu.memory_space<vmem>>, vector<16xf32>,
      %mul3A_308 = vector.broadcast %squeeze3A_296 : f32 to vector<16xf32>
      %mul3A_309 = arith.mulf %get3A_307, %mul3A_308 : vector<16xf32>
      %swap3A_310 = arith.index_cast %add3A_294 : i32 to index
      %swap3A_311 = arith.constant 16 : index
      %swap3A_312 = tpu.vector_load %arg12[%swap3A_310, %swap3A_311] {strides = array<i32>} : memref<512x128xf32, #tpu.memory_space<vmem>>, vector<16xf32>,
      tpu.vector_store %arg12[%swap3A_310, %swap3A_311], %mul3A_309 {strides = array<i32>} : memref<512x128xf32, #tpu.memory_space<vmem>>, vector<16xf32>,
      %get3A_313 = arith.index_cast %add3A_294 : i32 to index
      %get3A_314 = arith.constant 32 : index
      %get3A_315 = tpu.vector_load %arg12[%get3A_313, %get3A_314] {strides = array<i32>} : memref<512x128xf32, #tpu.memory_space<vmem>>, vector<16xf32>,
      %mul3A_316 = vector.broadcast %squeeze3A_296 : f32 to vector<16xf32>
      %mul3A_317 = arith.mulf %get3A_315, %mul3A_316 : vector<16xf32>
      %swap3A_318 = arith.index_cast %add3A_294 : i32 to index
      %swap3A_319 = arith.constant 32 : index
      %swap3A_320 = tpu.vector_load %arg12[%swap3A_318, %swap3A_319] {strides = array<i32>} : memref<512x128xf32, #tpu.memory_space<vmem>>, vector<16xf32>,
      tpu.vector_store %arg12[%swap3A_318, %swap3A_319], %mul3A_317 {strides = array<i32>} : memref<512x128xf32, #tpu.memory_space<vmem>>, vector<16xf32>,
      %get3A_321 = arith.index_cast %add3A_294 : i32 to index
      %get3A_322 = arith.constant 48 : index
      %get3A_323 = tpu.vector_load %arg12[%get3A_321, %get3A_322] {strides = array<i32>} : memref<512x128xf32, #tpu.memory_space<vmem>>, vector<16xf32>,
      %mul3A_324 = vector.broadcast %squeeze3A_296 : f32 to vector<16xf32>
      %mul3A_325 = arith.mulf %get3A_323, %mul3A_324 : vector<16xf32>
      %swap3A_326 = arith.index_cast %add3A_294 : i32 to index
      %swap3A_327 = arith.constant 48 : index
      %swap3A_328 = tpu.vector_load %arg12[%swap3A_326, %swap3A_327] {strides = array<i32>} : memref<512x128xf32, #tpu.memory_space<vmem>>, vector<16xf32>,
      tpu.vector_store %arg12[%swap3A_326, %swap3A_327], %mul3A_325 {strides = array<i32>} : memref<512x128xf32, #tpu.memory_space<vmem>>, vector<16xf32>,
      %mul3A_329 = arith.constant 16 : i32
      %mul3A_330 = arith.muli %scan3A_24, %mul3A_329 : i32
      %add3A_331 = arith.constant 8 : i32
      %add3A_332 = arith.addi %mul3A_330, %add3A_331 : i32
      %slice3A_333 = vector.extract_strided_slice %get3A_27 {offsets = [8], sizes = [1], strides = [1]} : vector<16xf32> to vector<1xf32>
      %squeeze3A_334 = vector.extract %slice3A_333[0] : f32 from vector<1xf32>
      %get3A_335 = arith.index_cast %add3A_332 : i32 to index
      %get3A_336 = arith.constant 0 : index
      %get3A_337 = tpu.vector_load %arg12[%get3A_335, %get3A_336] {strides = array<i32>} : memref<512x128xf32, #tpu.memory_space<vmem>>, vector<16xf32>,
      %mul3A_338 = vector.broadcast %squeeze3A_334 : f32 to vector<16xf32>
      %mul3A_339 = arith.mulf %get3A_337, %mul3A_338 : vector<16xf32>
      %swap3A_340 = arith.index_cast %add3A_332 : i32 to index
      %swap3A_341 = arith.constant 0 : index
      %swap3A_342 = tpu.vector_load %arg12[%swap3A_340, %swap3A_341] {strides = array<i32>} : memref<512x128xf32, #tpu.memory_space<vmem>>, vector<16xf32>,
      tpu.vector_store %arg12[%swap3A_340, %swap3A_341], %mul3A_339 {strides = array<i32>} : memref<512x128xf32, #tpu.memory_space<vmem>>, vector<16xf32>,
      %get3A_343 = arith.index_cast %add3A_332 : i32 to index
      %get3A_344 = arith.constant 16 : index
      %get3A_345 = tpu.vector_load %arg12[%get3A_343, %get3A_344] {strides = array<i32>} : memref<512x128xf32, #tpu.memory_space<vmem>>, vector<16xf32>,
      %mul3A_346 = vector.broadcast %squeeze3A_334 : f32 to vector<16xf32>
      %mul3A_347 = arith.mulf %get3A_345, %mul3A_346 : vector<16xf32>
      %swap3A_348 = arith.index_cast %add3A_332 : i32 to index
      %swap3A_349 = arith.constant 16 : index
      %swap3A_350 = tpu.vector_load %arg12[%swap3A_348, %swap3A_349] {strides = array<i32>} : memref<512x128xf32, #tpu.memory_space<vmem>>, vector<16xf32>,
      tpu.vector_store %arg12[%swap3A_348, %swap3A_349], %mul3A_347 {strides = array<i32>} : memref<512x128xf32, #tpu.memory_space<vmem>>, vector<16xf32>,
      %get3A_351 = arith.index_cast %add3A_332 : i32 to index
      %get3A_352 = arith.constant 32 : index
      %get3A_353 = tpu.vector_load %arg12[%get3A_351, %get3A_352] {strides = array<i32>} : memref<512x128xf32, #tpu.memory_space<vmem>>, vector<16xf32>,
      %mul3A_354 = vector.broadcast %squeeze3A_334 : f32 to vector<16xf32>
      %mul3A_355 = arith.mulf %get3A_353, %mul3A_354 : vector<16xf32>
      %swap3A_356 = arith.index_cast %add3A_332 : i32 to index
      %swap3A_357 = arith.constant 32 : index
      %swap3A_358 = tpu.vector_load %arg12[%swap3A_356, %swap3A_357] {strides = array<i32>} : memref<512x128xf32, #tpu.memory_space<vmem>>, vector<16xf32>,
      tpu.vector_store %arg12[%swap3A_356, %swap3A_357], %mul3A_355 {strides = array<i32>} : memref<512x128xf32, #tpu.memory_space<vmem>>, vector<16xf32>,
      %get3A_359 = arith.index_cast %add3A_332 : i32 to index
      %get3A_360 = arith.constant 48 : index
      %get3A_361 = tpu.vector_load %arg12[%get3A_359, %get3A_360] {strides = array<i32>} : memref<512x128xf32, #tpu.memory_space<vmem>>, vector<16xf32>,
      %mul3A_362 = vector.broadcast %squeeze3A_334 : f32 to vector<16xf32>
      %mul3A_363 = arith.mulf %get3A_361, %mul3A_362 : vector<16xf32>
      %swap3A_364 = arith.index_cast %add3A_332 : i32 to index
      %swap3A_365 = arith.constant 48 : index
      %swap3A_366 = tpu.vector_load %arg12[%swap3A_364, %swap3A_365] {strides = array<i32>} : memref<512x128xf32, #tpu.memory_space<vmem>>, vector<16xf32>,
      tpu.vector_store %arg12[%swap3A_364, %swap3A_365], %mul3A_363 {strides = array<i32>} : memref<512x128xf32, #tpu.memory_space<vmem>>, vector<16xf32>,
      %mul3A_367 = arith.constant 16 : i32
      %mul3A_368 = arith.muli %scan3A_24, %mul3A_367 : i32
      %add3A_369 = arith.constant 9 : i32
      %add3A_370 = arith.addi %mul3A_368, %add3A_369 : i32
      %slice3A_371 = vector.extract_strided_slice %get3A_27 {offsets = [9], sizes = [1], strides = [1]} : vector<16xf32> to vector<1xf32>
      %squeeze3A_372 = vector.extract %slice3A_371[0] : f32 from vector<1xf32>
      %get3A_373 = arith.index_cast %add3A_370 : i32 to index
      %get3A_374 = arith.constant 0 : index
      %get3A_375 = tpu.vector_load %arg12[%get3A_373, %get3A_374] {strides = array<i32>} : memref<512x128xf32, #tpu.memory_space<vmem>>, vector<16xf32>,
      %mul3A_376 = vector.broadcast %squeeze3A_372 : f32 to vector<16xf32>
      %mul3A_377 = arith.mulf %get3A_375, %mul3A_376 : vector<16xf32>
      %swap3A_378 = arith.index_cast %add3A_370 : i32 to index
      %swap3A_379 = arith.constant 0 : index
      %swap3A_380 = tpu.vector_load %arg12[%swap3A_378, %swap3A_379] {strides = array<i32>} : memref<512x128xf32, #tpu.memory_space<vmem>>, vector<16xf32>,
      tpu.vector_store %arg12[%swap3A_378, %swap3A_379], %mul3A_377 {strides = array<i32>} : memref<512x128xf32, #tpu.memory_space<vmem>>, vector<16xf32>,
      %get3A_381 = arith.index_cast %add3A_370 : i32 to index
      %get3A_382 = arith.constant 16 : index
      %get3A_383 = tpu.vector_load %arg12[%get3A_381, %get3A_382] {strides = array<i32>} : memref<512x128xf32, #tpu.memory_space<vmem>>, vector<16xf32>,
      %mul3A_384 = vector.broadcast %squeeze3A_372 : f32 to vector<16xf32>
      %mul3A_385 = arith.mulf %get3A_383, %mul3A_384 : vector<16xf32>
      %swap3A_386 = arith.index_cast %add3A_370 : i32 to index
      %swap3A_387 = arith.constant 16 : index
      %swap3A_388 = tpu.vector_load %arg12[%swap3A_386, %swap3A_387] {strides = array<i32>} : memref<512x128xf32, #tpu.memory_space<vmem>>, vector<16xf32>,
      tpu.vector_store %arg12[%swap3A_386, %swap3A_387], %mul3A_385 {strides = array<i32>} : memref<512x128xf32, #tpu.memory_space<vmem>>, vector<16xf32>,
      %get3A_389 = arith.index_cast %add3A_370 : i32 to index
      %get3A_390 = arith.constant 32 : index
      %get3A_391 = tpu.vector_load %arg12[%get3A_389, %get3A_390] {strides = array<i32>} : memref<512x128xf32, #tpu.memory_space<vmem>>, vector<16xf32>,
      %mul3A_392 = vector.broadcast %squeeze3A_372 : f32 to vector<16xf32>
      %mul3A_393 = arith.mulf %get3A_391, %mul3A_392 : vector<16xf32>
      %swap3A_394 = arith.index_cast %add3A_370 : i32 to index
      %swap3A_395 = arith.constant 32 : index
      %swap3A_396 = tpu.vector_load %arg12[%swap3A_394, %swap3A_395] {strides = array<i32>} : memref<512x128xf32, #tpu.memory_space<vmem>>, vector<16xf32>,
      tpu.vector_store %arg12[%swap3A_394, %swap3A_395], %mul3A_393 {strides = array<i32>} : memref<512x128xf32, #tpu.memory_space<vmem>>, vector<16xf32>,
      %get3A_397 = arith.index_cast %add3A_370 : i32 to index
      %get3A_398 = arith.constant 48 : index
      %get3A_399 = tpu.vector_load %arg12[%get3A_397, %get3A_398] {strides = array<i32>} : memref<512x128xf32, #tpu.memory_space<vmem>>, vector<16xf32>,
      %mul3A_400 = vector.broadcast %squeeze3A_372 : f32 to vector<16xf32>
      %mul3A_401 = arith.mulf %get3A_399, %mul3A_400 : vector<16xf32>
      %swap3A_402 = arith.index_cast %add3A_370 : i32 to index
      %swap3A_403 = arith.constant 48 : index
      %swap3A_404 = tpu.vector_load %arg12[%swap3A_402, %swap3A_403] {strides = array<i32>} : memref<512x128xf32, #tpu.memory_space<vmem>>, vector<16xf32>,
      tpu.vector_store %arg12[%swap3A_402, %swap3A_403], %mul3A_401 {strides = array<i32>} : memref<512x128xf32, #tpu.memory_space<vmem>>, vector<16xf32>,
      %mul3A_405 = arith.constant 16 : i32
      %mul3A_406 = arith.muli %scan3A_24, %mul3A_405 : i32
      %add3A_407 = arith.constant 10 : i32
      %add3A_408 = arith.addi %mul3A_406, %add3A_407 : i32
      %slice3A_409 = vector.extract_strided_slice %get3A_27 {offsets = [10], sizes = [1], strides = [1]} : vector<16xf32> to vector<1xf32>
      %squeeze3A_410 = vector.extract %slice3A_409[0] : f32 from vector<1xf32>
      %get3A_411 = arith.index_cast %add3A_408 : i32 to index
      %get3A_412 = arith.constant 0 : index
      %get3A_413 = tpu.vector_load %arg12[%get3A_411, %get3A_412] {strides = array<i32>} : memref<512x128xf32, #tpu.memory_space<vmem>>, vector<16xf32>,
      %mul3A_414 = vector.broadcast %squeeze3A_410 : f32 to vector<16xf32>
      %mul3A_415 = arith.mulf %get3A_413, %mul3A_414 : vector<16xf32>
      %swap3A_416 = arith.index_cast %add3A_408 : i32 to index
      %swap3A_417 = arith.constant 0 : index
      %swap3A_418 = tpu.vector_load %arg12[%swap3A_416, %swap3A_417] {strides = array<i32>} : memref<512x128xf32, #tpu.memory_space<vmem>>, vector<16xf32>,
      tpu.vector_store %arg12[%swap3A_416, %swap3A_417], %mul3A_415 {strides = array<i32>} : memref<512x128xf32, #tpu.memory_space<vmem>>, vector<16xf32>,
      %get3A_419 = arith.index_cast %add3A_408 : i32 to index
      %get3A_420 = arith.constant 16 : index
      %get3A_421 = tpu.vector_load %arg12[%get3A_419, %get3A_420] {strides = array<i32>} : memref<512x128xf32, #tpu.memory_space<vmem>>, vector<16xf32>,
      %mul3A_422 = vector.broadcast %squeeze3A_410 : f32 to vector<16xf32>
      %mul3A_423 = arith.mulf %get3A_421, %mul3A_422 : vector<16xf32>
      %swap3A_424 = arith.index_cast %add3A_408 : i32 to index
      %swap3A_425 = arith.constant 16 : index
      %swap3A_426 = tpu.vector_load %arg12[%swap3A_424, %swap3A_425] {strides = array<i32>} : memref<512x128xf32, #tpu.memory_space<vmem>>, vector<16xf32>,
      tpu.vector_store %arg12[%swap3A_424, %swap3A_425], %mul3A_423 {strides = array<i32>} : memref<512x128xf32, #tpu.memory_space<vmem>>, vector<16xf32>,
      %get3A_427 = arith.index_cast %add3A_408 : i32 to index
      %get3A_428 = arith.constant 32 : index
      %get3A_429 = tpu.vector_load %arg12[%get3A_427, %get3A_428] {strides = array<i32>} : memref<512x128xf32, #tpu.memory_space<vmem>>, vector<16xf32>,
      %mul3A_430 = vector.broadcast %squeeze3A_410 : f32 to vector<16xf32>
      %mul3A_431 = arith.mulf %get3A_429, %mul3A_430 : vector<16xf32>
      %swap3A_432 = arith.index_cast %add3A_408 : i32 to index
      %swap3A_433 = arith.constant 32 : index
      %swap3A_434 = tpu.vector_load %arg12[%swap3A_432, %swap3A_433] {strides = array<i32>} : memref<512x128xf32, #tpu.memory_space<vmem>>, vector<16xf32>,
      tpu.vector_store %arg12[%swap3A_432, %swap3A_433], %mul3A_431 {strides = array<i32>} : memref<512x128xf32, #tpu.memory_space<vmem>>, vector<16xf32>,
      %get3A_435 = arith.index_cast %add3A_408 : i32 to index
      %get3A_436 = arith.constant 48 : index
      %get3A_437 = tpu.vector_load %arg12[%get3A_435, %get3A_436] {strides = array<i32>} : memref<512x128xf32, #tpu.memory_space<vmem>>, vector<16xf32>,
      %mul3A_438 = vector.broadcast %squeeze3A_410 : f32 to vector<16xf32>
      %mul3A_439 = arith.mulf %get3A_437, %mul3A_438 : vector<16xf32>
      %swap3A_440 = arith.index_cast %add3A_408 : i32 to index
      %swap3A_441 = arith.constant 48 : index
      %swap3A_442 = tpu.vector_load %arg12[%swap3A_440, %swap3A_441] {strides = array<i32>} : memref<512x128xf32, #tpu.memory_space<vmem>>, vector<16xf32>,
      tpu.vector_store %arg12[%swap3A_440, %swap3A_441], %mul3A_439 {strides = array<i32>} : memref<512x128xf32, #tpu.memory_space<vmem>>, vector<16xf32>,
      %mul3A_443 = arith.constant 16 : i32
      %mul3A_444 = arith.muli %scan3A_24, %mul3A_443 : i32
      %add3A_445 = arith.constant 11 : i32
      %add3A_446 = arith.addi %mul3A_444, %add3A_445 : i32
      %slice3A_447 = vector.extract_strided_slice %get3A_27 {offsets = [11], sizes = [1], strides = [1]} : vector<16xf32> to vector<1xf32>
      %squeeze3A_448 = vector.extract %slice3A_447[0] : f32 from vector<1xf32>
      %get3A_449 = arith.index_cast %add3A_446 : i32 to index
      %get3A_450 = arith.constant 0 : index
      %get3A_451 = tpu.vector_load %arg12[%get3A_449, %get3A_450] {strides = array<i32>} : memref<512x128xf32, #tpu.memory_space<vmem>>, vector<16xf32>,
      %mul3A_452 = vector.broadcast %squeeze3A_448 : f32 to vector<16xf32>
      %mul3A_453 = arith.mulf %get3A_451, %mul3A_452 : vector<16xf32>
      %swap3A_454 = arith.index_cast %add3A_446 : i32 to index
      %swap3A_455 = arith.constant 0 : index
      %swap3A_456 = tpu.vector_load %arg12[%swap3A_454, %swap3A_455] {strides = array<i32>} : memref<512x128xf32, #tpu.memory_space<vmem>>, vector<16xf32>,
      tpu.vector_store %arg12[%swap3A_454, %swap3A_455], %mul3A_453 {strides = array<i32>} : memref<512x128xf32, #tpu.memory_space<vmem>>, vector<16xf32>,
      %get3A_457 = arith.index_cast %add3A_446 : i32 to index
      %get3A_458 = arith.constant 16 : index
      %get3A_459 = tpu.vector_load %arg12[%get3A_457, %get3A_458] {strides = array<i32>} : memref<512x128xf32, #tpu.memory_space<vmem>>, vector<16xf32>,
      %mul3A_460 = vector.broadcast %squeeze3A_448 : f32 to vector<16xf32>
      %mul3A_461 = arith.mulf %get3A_459, %mul3A_460 : vector<16xf32>
      %swap3A_462 = arith.index_cast %add3A_446 : i32 to index
      %swap3A_463 = arith.constant 16 : index
      %swap3A_464 = tpu.vector_load %arg12[%swap3A_462, %swap3A_463] {strides = array<i32>} : memref<512x128xf32, #tpu.memory_space<vmem>>, vector<16xf32>,
      tpu.vector_store %arg12[%swap3A_462, %swap3A_463], %mul3A_461 {strides = array<i32>} : memref<512x128xf32, #tpu.memory_space<vmem>>, vector<16xf32>,
      %get3A_465 = arith.index_cast %add3A_446 : i32 to index
      %get3A_466 = arith.constant 32 : index
      %get3A_467 = tpu.vector_load %arg12[%get3A_465, %get3A_466] {strides = array<i32>} : memref<512x128xf32, #tpu.memory_space<vmem>>, vector<16xf32>,
      %mul3A_468 = vector.broadcast %squeeze3A_448 : f32 to vector<16xf32>
      %mul3A_469 = arith.mulf %get3A_467, %mul3A_468 : vector<16xf32>
      %swap3A_470 = arith.index_cast %add3A_446 : i32 to index
      %swap3A_471 = arith.constant 32 : index
      %swap3A_472 = tpu.vector_load %arg12[%swap3A_470, %swap3A_471] {strides = array<i32>} : memref<512x128xf32, #tpu.memory_space<vmem>>, vector<16xf32>,
      tpu.vector_store %arg12[%swap3A_470, %swap3A_471], %mul3A_469 {strides = array<i32>} : memref<512x128xf32, #tpu.memory_space<vmem>>, vector<16xf32>,
      %get3A_473 = arith.index_cast %add3A_446 : i32 to index
      %get3A_474 = arith.constant 48 : index
      %get3A_475 = tpu.vector_load %arg12[%get3A_473, %get3A_474] {strides = array<i32>} : memref<512x128xf32, #tpu.memory_space<vmem>>, vector<16xf32>,
      %mul3A_476 = vector.broadcast %squeeze3A_448 : f32 to vector<16xf32>
      %mul3A_477 = arith.mulf %get3A_475, %mul3A_476 : vector<16xf32>
      %swap3A_478 = arith.index_cast %add3A_446 : i32 to index
      %swap3A_479 = arith.constant 48 : index
      %swap3A_480 = tpu.vector_load %arg12[%swap3A_478, %swap3A_479] {strides = array<i32>} : memref<512x128xf32, #tpu.memory_space<vmem>>, vector<16xf32>,
      tpu.vector_store %arg12[%swap3A_478, %swap3A_479], %mul3A_477 {strides = array<i32>} : memref<512x128xf32, #tpu.memory_space<vmem>>, vector<16xf32>,
      %mul3A_481 = arith.constant 16 : i32
      %mul3A_482 = arith.muli %scan3A_24, %mul3A_481 : i32
      %add3A_483 = arith.constant 12 : i32
      %add3A_484 = arith.addi %mul3A_482, %add3A_483 : i32
      %slice3A_485 = vector.extract_strided_slice %get3A_27 {offsets = [12], sizes = [1], strides = [1]} : vector<16xf32> to vector<1xf32>
      %squeeze3A_486 = vector.extract %slice3A_485[0] : f32 from vector<1xf32>
      %get3A_487 = arith.index_cast %add3A_484 : i32 to index
      %get3A_488 = arith.constant 0 : index
      %get3A_489 = tpu.vector_load %arg12[%get3A_487, %get3A_488] {strides = array<i32>} : memref<512x128xf32, #tpu.memory_space<vmem>>, vector<16xf32>,
      %mul3A_490 = vector.broadcast %squeeze3A_486 : f32 to vector<16xf32>
      %mul3A_491 = arith.mulf %get3A_489, %mul3A_490 : vector<16xf32>
      %swap3A_492 = arith.index_cast %add3A_484 : i32 to index
      %swap3A_493 = arith.constant 0 : index
      %swap3A_494 = tpu.vector_load %arg12[%swap3A_492, %swap3A_493] {strides = array<i32>} : memref<512x128xf32, #tpu.memory_space<vmem>>, vector<16xf32>,
      tpu.vector_store %arg12[%swap3A_492, %swap3A_493], %mul3A_491 {strides = array<i32>} : memref<512x128xf32, #tpu.memory_space<vmem>>, vector<16xf32>,
      %get3A_495 = arith.index_cast %add3A_484 : i32 to index
      %get3A_496 = arith.constant 16 : index
      %get3A_497 = tpu.vector_load %arg12[%get3A_495, %get3A_496] {strides = array<i32>} : memref<512x128xf32, #tpu.memory_space<vmem>>, vector<16xf32>,
      %mul3A_498 = vector.broadcast %squeeze3A_486 : f32 to vector<16xf32>
      %mul3A_499 = arith.mulf %get3A_497, %mul3A_498 : vector<16xf32>
      %swap3A_500 = arith.index_cast %add3A_484 : i32 to index
      %swap3A_501 = arith.constant 16 : index
      %swap3A_502 = tpu.vector_load %arg12[%swap3A_500, %swap3A_501] {strides = array<i32>} : memref<512x128xf32, #tpu.memory_space<vmem>>, vector<16xf32>,
      tpu.vector_store %arg12[%swap3A_500, %swap3A_501], %mul3A_499 {strides = array<i32>} : memref<512x128xf32, #tpu.memory_space<vmem>>, vector<16xf32>,
      %get3A_503 = arith.index_cast %add3A_484 : i32 to index
      %get3A_504 = arith.constant 32 : index
      %get3A_505 = tpu.vector_load %arg12[%get3A_503, %get3A_504] {strides = array<i32>} : memref<512x128xf32, #tpu.memory_space<vmem>>, vector<16xf32>,
      %mul3A_506 = vector.broadcast %squeeze3A_486 : f32 to vector<16xf32>
      %mul3A_507 = arith.mulf %get3A_505, %mul3A_506 : vector<16xf32>
      %swap3A_508 = arith.index_cast %add3A_484 : i32 to index
      %swap3A_509 = arith.constant 32 : index
      %swap3A_510 = tpu.vector_load %arg12[%swap3A_508, %swap3A_509] {strides = array<i32>} : memref<512x128xf32, #tpu.memory_space<vmem>>, vector<16xf32>,
      tpu.vector_store %arg12[%swap3A_508, %swap3A_509], %mul3A_507 {strides = array<i32>} : memref<512x128xf32, #tpu.memory_space<vmem>>, vector<16xf32>,
      %get3A_511 = arith.index_cast %add3A_484 : i32 to index
      %get3A_512 = arith.constant 48 : index
      %get3A_513 = tpu.vector_load %arg12[%get3A_511, %get3A_512] {strides = array<i32>} : memref<512x128xf32, #tpu.memory_space<vmem>>, vector<16xf32>,
      %mul3A_514 = vector.broadcast %squeeze3A_486 : f32 to vector<16xf32>
      %mul3A_515 = arith.mulf %get3A_513, %mul3A_514 : vector<16xf32>
      %swap3A_516 = arith.index_cast %add3A_484 : i32 to index
      %swap3A_517 = arith.constant 48 : index
      %swap3A_518 = tpu.vector_load %arg12[%swap3A_516, %swap3A_517] {strides = array<i32>} : memref<512x128xf32, #tpu.memory_space<vmem>>, vector<16xf32>,
      tpu.vector_store %arg12[%swap3A_516, %swap3A_517], %mul3A_515 {strides = array<i32>} : memref<512x128xf32, #tpu.memory_space<vmem>>, vector<16xf32>,
      %mul3A_519 = arith.constant 16 : i32
      %mul3A_520 = arith.muli %scan3A_24, %mul3A_519 : i32
      %add3A_521 = arith.constant 13 : i32
      %add3A_522 = arith.addi %mul3A_520, %add3A_521 : i32
      %slice3A_523 = vector.extract_strided_slice %get3A_27 {offsets = [13], sizes = [1], strides = [1]} : vector<16xf32> to vector<1xf32>
      %squeeze3A_524 = vector.extract %slice3A_523[0] : f32 from vector<1xf32>
      %get3A_525 = arith.index_cast %add3A_522 : i32 to index
      %get3A_526 = arith.constant 0 : index
      %get3A_527 = tpu.vector_load %arg12[%get3A_525, %get3A_526] {strides = array<i32>} : memref<512x128xf32, #tpu.memory_space<vmem>>, vector<16xf32>,
      %mul3A_528 = vector.broadcast %squeeze3A_524 : f32 to vector<16xf32>
      %mul3A_529 = arith.mulf %get3A_527, %mul3A_528 : vector<16xf32>
      %swap3A_530 = arith.index_cast %add3A_522 : i32 to index
      %swap3A_531 = arith.constant 0 : index
      %swap3A_532 = tpu.vector_load %arg12[%swap3A_530, %swap3A_531] {strides = array<i32>} : memref<512x128xf32, #tpu.memory_space<vmem>>, vector<16xf32>,
      tpu.vector_store %arg12[%swap3A_530, %swap3A_531], %mul3A_529 {strides = array<i32>} : memref<512x128xf32, #tpu.memory_space<vmem>>, vector<16xf32>,
      %get3A_533 = arith.index_cast %add3A_522 : i32 to index
      %get3A_534 = arith.constant 16 : index
      %get3A_535 = tpu.vector_load %arg12[%get3A_533, %get3A_534] {strides = array<i32>} : memref<512x128xf32, #tpu.memory_space<vmem>>, vector<16xf32>,
      %mul3A_536 = vector.broadcast %squeeze3A_524 : f32 to vector<16xf32>
      %mul3A_537 = arith.mulf %get3A_535, %mul3A_536 : vector<16xf32>
      %swap3A_538 = arith.index_cast %add3A_522 : i32 to index
      %swap3A_539 = arith.constant 16 : index
      %swap3A_540 = tpu.vector_load %arg12[%swap3A_538, %swap3A_539] {strides = array<i32>} : memref<512x128xf32, #tpu.memory_space<vmem>>, vector<16xf32>,
      tpu.vector_store %arg12[%swap3A_538, %swap3A_539], %mul3A_537 {strides = array<i32>} : memref<512x128xf32, #tpu.memory_space<vmem>>, vector<16xf32>,
      %get3A_541 = arith.index_cast %add3A_522 : i32 to index
      %get3A_542 = arith.constant 32 : index
      %get3A_543 = tpu.vector_load %arg12[%get3A_541, %get3A_542] {strides = array<i32>} : memref<512x128xf32, #tpu.memory_space<vmem>>, vector<16xf32>,
      %mul3A_544 = vector.broadcast %squeeze3A_524 : f32 to vector<16xf32>
      %mul3A_545 = arith.mulf %get3A_543, %mul3A_544 : vector<16xf32>
      %swap3A_546 = arith.index_cast %add3A_522 : i32 to index
      %swap3A_547 = arith.constant 32 : index
      %swap3A_548 = tpu.vector_load %arg12[%swap3A_546, %swap3A_547] {strides = array<i32>} : memref<512x128xf32, #tpu.memory_space<vmem>>, vector<16xf32>,
      tpu.vector_store %arg12[%swap3A_546, %swap3A_547], %mul3A_545 {strides = array<i32>} : memref<512x128xf32, #tpu.memory_space<vmem>>, vector<16xf32>,
      %get3A_549 = arith.index_cast %add3A_522 : i32 to index
      %get3A_550 = arith.constant 48 : index
      %get3A_551 = tpu.vector_load %arg12[%get3A_549, %get3A_550] {strides = array<i32>} : memref<512x128xf32, #tpu.memory_space<vmem>>, vector<16xf32>,
      %mul3A_552 = vector.broadcast %squeeze3A_524 : f32 to vector<16xf32>
      %mul3A_553 = arith.mulf %get3A_551, %mul3A_552 : vector<16xf32>
      %swap3A_554 = arith.index_cast %add3A_522 : i32 to index
      %swap3A_555 = arith.constant 48 : index
      %swap3A_556 = tpu.vector_load %arg12[%swap3A_554, %swap3A_555] {strides = array<i32>} : memref<512x128xf32, #tpu.memory_space<vmem>>, vector<16xf32>,
      tpu.vector_store %arg12[%swap3A_554, %swap3A_555], %mul3A_553 {strides = array<i32>} : memref<512x128xf32, #tpu.memory_space<vmem>>, vector<16xf32>,
      %mul3A_557 = arith.constant 16 : i32
      %mul3A_558 = arith.muli %scan3A_24, %mul3A_557 : i32
      %add3A_559 = arith.constant 14 : i32
      %add3A_560 = arith.addi %mul3A_558, %add3A_559 : i32
      %slice3A_561 = vector.extract_strided_slice %get3A_27 {offsets = [14], sizes = [1], strides = [1]} : vector<16xf32> to vector<1xf32>
      %squeeze3A_562 = vector.extract %slice3A_561[0] : f32 from vector<1xf32>
      %get3A_563 = arith.index_cast %add3A_560 : i32 to index
      %get3A_564 = arith.constant 0 : index
      %get3A_565 = tpu.vector_load %arg12[%get3A_563, %get3A_564] {strides = array<i32>} : memref<512x128xf32, #tpu.memory_space<vmem>>, vector<16xf32>,
      %mul3A_566 = vector.broadcast %squeeze3A_562 : f32 to vector<16xf32>
      %mul3A_567 = arith.mulf %get3A_565, %mul3A_566 : vector<16xf32>
      %swap3A_568 = arith.index_cast %add3A_560 : i32 to index
      %swap3A_569 = arith.constant 0 : index
      %swap3A_570 = tpu.vector_load %arg12[%swap3A_568, %swap3A_569] {strides = array<i32>} : memref<512x128xf32, #tpu.memory_space<vmem>>, vector<16xf32>,
      tpu.vector_store %arg12[%swap3A_568, %swap3A_569], %mul3A_567 {strides = array<i32>} : memref<512x128xf32, #tpu.memory_space<vmem>>, vector<16xf32>,
      %get3A_571 = arith.index_cast %add3A_560 : i32 to index
      %get3A_572 = arith.constant 16 : index
      %get3A_573 = tpu.vector_load %arg12[%get3A_571, %get3A_572] {strides = array<i32>} : memref<512x128xf32, #tpu.memory_space<vmem>>, vector<16xf32>,
      %mul3A_574 = vector.broadcast %squeeze3A_562 : f32 to vector<16xf32>
      %mul3A_575 = arith.mulf %get3A_573, %mul3A_574 : vector<16xf32>
      %swap3A_576 = arith.index_cast %add3A_560 : i32 to index
      %swap3A_577 = arith.constant 16 : index
      %swap3A_578 = tpu.vector_load %arg12[%swap3A_576, %swap3A_577] {strides = array<i32>} : memref<512x128xf32, #tpu.memory_space<vmem>>, vector<16xf32>,
      tpu.vector_store %arg12[%swap3A_576, %swap3A_577], %mul3A_575 {strides = array<i32>} : memref<512x128xf32, #tpu.memory_space<vmem>>, vector<16xf32>,
      %get3A_579 = arith.index_cast %add3A_560 : i32 to index
      %get3A_580 = arith.constant 32 : index
      %get3A_581 = tpu.vector_load %arg12[%get3A_579, %get3A_580] {strides = array<i32>} : memref<512x128xf32, #tpu.memory_space<vmem>>, vector<16xf32>,
      %mul3A_582 = vector.broadcast %squeeze3A_562 : f32 to vector<16xf32>
      %mul3A_583 = arith.mulf %get3A_581, %mul3A_582 : vector<16xf32>
      %swap3A_584 = arith.index_cast %add3A_560 : i32 to index
      %swap3A_585 = arith.constant 32 : index
      %swap3A_586 = tpu.vector_load %arg12[%swap3A_584, %swap3A_585] {strides = array<i32>} : memref<512x128xf32, #tpu.memory_space<vmem>>, vector<16xf32>,
      tpu.vector_store %arg12[%swap3A_584, %swap3A_585], %mul3A_583 {strides = array<i32>} : memref<512x128xf32, #tpu.memory_space<vmem>>, vector<16xf32>,
      %get3A_587 = arith.index_cast %add3A_560 : i32 to index
      %get3A_588 = arith.constant 48 : index
      %get3A_589 = tpu.vector_load %arg12[%get3A_587, %get3A_588] {strides = array<i32>} : memref<512x128xf32, #tpu.memory_space<vmem>>, vector<16xf32>,
      %mul3A_590 = vector.broadcast %squeeze3A_562 : f32 to vector<16xf32>
      %mul3A_591 = arith.mulf %get3A_589, %mul3A_590 : vector<16xf32>
      %swap3A_592 = arith.index_cast %add3A_560 : i32 to index
      %swap3A_593 = arith.constant 48 : index
      %swap3A_594 = tpu.vector_load %arg12[%swap3A_592, %swap3A_593] {strides = array<i32>} : memref<512x128xf32, #tpu.memory_space<vmem>>, vector<16xf32>,
      tpu.vector_store %arg12[%swap3A_592, %swap3A_593], %mul3A_591 {strides = array<i32>} : memref<512x128xf32, #tpu.memory_space<vmem>>, vector<16xf32>,
      %mul3A_595 = arith.constant 16 : i32
      %mul3A_596 = arith.muli %scan3A_24, %mul3A_595 : i32
      %add3A_597 = arith.constant 15 : i32
      %add3A_598 = arith.addi %mul3A_596, %add3A_597 : i32
      %slice3A_599 = vector.extract_strided_slice %get3A_27 {offsets = [15], sizes = [1], strides = [1]} : vector<16xf32> to vector<1xf32>
      %squeeze3A_600 = vector.extract %slice3A_599[0] : f32 from vector<1xf32>
      %get3A_601 = arith.index_cast %add3A_598 : i32 to index
      %get3A_602 = arith.constant 0 : index
      %get3A_603 = tpu.vector_load %arg12[%get3A_601, %get3A_602] {strides = array<i32>} : memref<512x128xf32, #tpu.memory_space<vmem>>, vector<16xf32>,
      %mul3A_604 = vector.broadcast %squeeze3A_600 : f32 to vector<16xf32>
      %mul3A_605 = arith.mulf %get3A_603, %mul3A_604 : vector<16xf32>
      %swap3A_606 = arith.index_cast %add3A_598 : i32 to index
      %swap3A_607 = arith.constant 0 : index
      %swap3A_608 = tpu.vector_load %arg12[%swap3A_606, %swap3A_607] {strides = array<i32>} : memref<512x128xf32, #tpu.memory_space<vmem>>, vector<16xf32>,
      tpu.vector_store %arg12[%swap3A_606, %swap3A_607], %mul3A_605 {strides = array<i32>} : memref<512x128xf32, #tpu.memory_space<vmem>>, vector<16xf32>,
      %get3A_609 = arith.index_cast %add3A_598 : i32 to index
      %get3A_610 = arith.constant 16 : index
      %get3A_611 = tpu.vector_load %arg12[%get3A_609, %get3A_610] {strides = array<i32>} : memref<512x128xf32, #tpu.memory_space<vmem>>, vector<16xf32>,
      %mul3A_612 = vector.broadcast %squeeze3A_600 : f32 to vector<16xf32>
      %mul3A_613 = arith.mulf %get3A_611, %mul3A_612 : vector<16xf32>
      %swap3A_614 = arith.index_cast %add3A_598 : i32 to index
      %swap3A_615 = arith.constant 16 : index
      %swap3A_616 = tpu.vector_load %arg12[%swap3A_614, %swap3A_615] {strides = array<i32>} : memref<512x128xf32, #tpu.memory_space<vmem>>, vector<16xf32>,
      tpu.vector_store %arg12[%swap3A_614, %swap3A_615], %mul3A_613 {strides = array<i32>} : memref<512x128xf32, #tpu.memory_space<vmem>>, vector<16xf32>,
      %get3A_617 = arith.index_cast %add3A_598 : i32 to index
      %get3A_618 = arith.constant 32 : index
      %get3A_619 = tpu.vector_load %arg12[%get3A_617, %get3A_618] {strides = array<i32>} : memref<512x128xf32, #tpu.memory_space<vmem>>, vector<16xf32>,
      %mul3A_620 = vector.broadcast %squeeze3A_600 : f32 to vector<16xf32>
      %mul3A_621 = arith.mulf %get3A_619, %mul3A_620 : vector<16xf32>
      %swap3A_622 = arith.index_cast %add3A_598 : i32 to index
      %swap3A_623 = arith.constant 32 : index
      %swap3A_624 = tpu.vector_load %arg12[%swap3A_622, %swap3A_623] {strides = array<i32>} : memref<512x128xf32, #tpu.memory_space<vmem>>, vector<16xf32>,
      tpu.vector_store %arg12[%swap3A_622, %swap3A_623], %mul3A_621 {strides = array<i32>} : memref<512x128xf32, #tpu.memory_space<vmem>>, vector<16xf32>,
      %get3A_625 = arith.index_cast %add3A_598 : i32 to index
      %get3A_626 = arith.constant 48 : index
      %get3A_627 = tpu.vector_load %arg12[%get3A_625, %get3A_626] {strides = array<i32>} : memref<512x128xf32, #tpu.memory_space<vmem>>, vector<16xf32>,
      %mul3A_628 = vector.broadcast %squeeze3A_600 : f32 to vector<16xf32>
      %mul3A_629 = arith.mulf %get3A_627, %mul3A_628 : vector<16xf32>
      %swap3A_630 = arith.index_cast %add3A_598 : i32 to index
      %swap3A_631 = arith.constant 48 : index
      %swap3A_632 = tpu.vector_load %arg12[%swap3A_630, %swap3A_631] {strides = array<i32>} : memref<512x128xf32, #tpu.memory_space<vmem>>, vector<16xf32>,
      tpu.vector_store %arg12[%swap3A_630, %swap3A_631], %mul3A_629 {strides = array<i32>} : memref<512x128xf32, #tpu.memory_space<vmem>>, vector<16xf32>,
    }
    %scan3A_15 = arith.constant 32 : i32
    %barrier3A = arith.constant 0 : index
    tpu.barrier barrier_id(%barrier3A)
    %run_scoped3A = arith.constant 0 : i32
    "tpu.region"() ({
      %run_scoped3A_24 = tpu.sem_alloc : memref<!tpu.dma_semaphore, #tpu.memory_space<semaphore_mem>>
      %dma_start3A = arith.constant 0 : i32
      %dma_start3A_25 = arith.constant 0 : i32
      %dma_start3A_26 = tpu.memref_slice %arg12[%dma_start3A, %dma_start3A_25] : memref<512x128xf32, #tpu.memory_space<vmem>> -> memref<128x128xf32, #tpu.memory_space<vmem>>
      %dma_start3A_27 = arith.constant 0 : i32
      %dma_start3A_28 = tpu.memref_slice %arg9[%run_scoped3A, %dma_start3A_27] : memref<4x128xi32, #tpu.memory_space<vmem>> -> memref<1x128xi32, #tpu.memory_space<vmem>>
      %dma_start3A_29 = tpu.memref_squeeze %dma_start3A_28 : memref<1x128xi32, #tpu.memory_space<vmem>> -> memref<128xi32, #tpu.memory_space<vmem>>
      %dma_start3A_30 = arith.constant 0 : i32
      %dma_start3A_31 = arith.constant 0 : i32
      %dma_start3A_32 = tpu.memref_slice %arg13[%dma_start3A_30, %dma_start3A_31] : memref<4096x128xf32, #tpu.memory_space<vmem_shared>> -> memref<4096x128xf32, #tpu.memory_space<vmem_shared>>
      tpu.enqueue_indirect_dma source(%dma_start3A_26 : memref<128x128xf32, #tpu.memory_space<vmem>>) target(%dma_start3A_32 : memref<4096x128xf32, #tpu.memory_space<vmem_shared>>) offsets(%dma_start3A_29 : memref<128xi32, #tpu.memory_space<vmem>>) semaphore(%run_scoped3A_24 : memref<!tpu.dma_semaphore, #tpu.memory_space<semaphore_mem>>) {add = true}
      %dma_wait3A = arith.constant 0 : i32
      %dma_wait3A_33 = arith.constant 0 : i32
      %dma_wait3A_34 = tpu.memref_slice %arg12[%dma_wait3A, %dma_wait3A_33] : memref<512x128xf32, #tpu.memory_space<vmem>> -> memref<128x128xf32, #tpu.memory_space<vmem>>
      %dma_wait3A_35 = arith.constant 0 : i32
      %dma_wait3A_36 = tpu.memref_slice %arg9[%run_scoped3A, %dma_wait3A_35] : memref<4x128xi32, #tpu.memory_space<vmem>> -> memref<1x128xi32, #tpu.memory_space<vmem>>
      %dma_wait3A_37 = tpu.memref_squeeze %dma_wait3A_36 : memref<1x128xi32, #tpu.memory_space<vmem>> -> memref<128xi32, #tpu.memory_space<vmem>>
      %dma_wait3A_38 = arith.constant 0 : i32
      %dma_wait3A_39 = arith.constant 0 : i32
      %dma_wait3A_40 = tpu.memref_slice %arg13[%dma_wait3A_38, %dma_wait3A_39] : memref<4096x128xf32, #tpu.memory_space<vmem_shared>> -> memref<4096x128xf32, #tpu.memory_space<vmem_shared>>
      tpu.wait_indirect_dma semaphore(%run_scoped3A_24 : memref<!tpu.dma_semaphore, #tpu.memory_space<semaphore_mem>>) src(%dma_wait3A_34 : memref<128x128xf32, #tpu.memory_space<vmem>>) dst(%dma_wait3A_40 : memref<4096x128xf32, #tpu.memory_space<vmem_shared>>)
      tpu.yield
    }) : () -> ()
    %run_scoped3A_16 = arith.constant 1 : i32
    "tpu.region"() ({
      %run_scoped3A_24 = tpu.sem_alloc : memref<!tpu.dma_semaphore, #tpu.memory_space<semaphore_mem>>
      %dma_start3A = arith.constant 128 : i32
      %dma_start3A_25 = arith.constant 0 : i32
      %dma_start3A_26 = tpu.memref_slice %arg12[%dma_start3A, %dma_start3A_25] : memref<512x128xf32, #tpu.memory_space<vmem>> -> memref<128x128xf32, #tpu.memory_space<vmem>>
      %dma_start3A_27 = arith.constant 0 : i32
      %dma_start3A_28 = tpu.memref_slice %arg9[%run_scoped3A_16, %dma_start3A_27] : memref<4x128xi32, #tpu.memory_space<vmem>> -> memref<1x128xi32, #tpu.memory_space<vmem>>
      %dma_start3A_29 = tpu.memref_squeeze %dma_start3A_28 : memref<1x128xi32, #tpu.memory_space<vmem>> -> memref<128xi32, #tpu.memory_space<vmem>>
      %dma_start3A_30 = arith.constant 0 : i32
      %dma_start3A_31 = arith.constant 0 : i32
      %dma_start3A_32 = tpu.memref_slice %arg13[%dma_start3A_30, %dma_start3A_31] : memref<4096x128xf32, #tpu.memory_space<vmem_shared>> -> memref<4096x128xf32, #tpu.memory_space<vmem_shared>>
      tpu.enqueue_indirect_dma source(%dma_start3A_26 : memref<128x128xf32, #tpu.memory_space<vmem>>) target(%dma_start3A_32 : memref<4096x128xf32, #tpu.memory_space<vmem_shared>>) offsets(%dma_start3A_29 : memref<128xi32, #tpu.memory_space<vmem>>) semaphore(%run_scoped3A_24 : memref<!tpu.dma_semaphore, #tpu.memory_space<semaphore_mem>>) {add = true}
      %dma_wait3A = arith.constant 128 : i32
      %dma_wait3A_33 = arith.constant 0 : i32
      %dma_wait3A_34 = tpu.memref_slice %arg12[%dma_wait3A, %dma_wait3A_33] : memref<512x128xf32, #tpu.memory_space<vmem>> -> memref<128x128xf32, #tpu.memory_space<vmem>>
      %dma_wait3A_35 = arith.constant 0 : i32
      %dma_wait3A_36 = tpu.memref_slice %arg9[%run_scoped3A_16, %dma_wait3A_35] : memref<4x128xi32, #tpu.memory_space<vmem>> -> memref<1x128xi32, #tpu.memory_space<vmem>>
      %dma_wait3A_37 = tpu.memref_squeeze %dma_wait3A_36 : memref<1x128xi32, #tpu.memory_space<vmem>> -> memref<128xi32, #tpu.memory_space<vmem>>
      %dma_wait3A_38 = arith.constant 0 : i32
      %dma_wait3A_39 = arith.constant 0 : i32
      %dma_wait3A_40 = tpu.memref_slice %arg13[%dma_wait3A_38, %dma_wait3A_39] : memref<4096x128xf32, #tpu.memory_space<vmem_shared>> -> memref<4096x128xf32, #tpu.memory_space<vmem_shared>>
      tpu.wait_indirect_dma semaphore(%run_scoped3A_24 : memref<!tpu.dma_semaphore, #tpu.memory_space<semaphore_mem>>) src(%dma_wait3A_34 : memref<128x128xf32, #tpu.memory_space<vmem>>) dst(%dma_wait3A_40 : memref<4096x128xf32, #tpu.memory_space<vmem_shared>>)
      tpu.yield
    }) : () -> ()
    %run_scoped3A_17 = arith.constant 2 : i32
    "tpu.region"() ({
      %run_scoped3A_24 = tpu.sem_alloc : memref<!tpu.dma_semaphore, #tpu.memory_space<semaphore_mem>>
      %dma_start3A = arith.constant 256 : i32
      %dma_start3A_25 = arith.constant 0 : i32
      %dma_start3A_26 = tpu.memref_slice %arg12[%dma_start3A, %dma_start3A_25] : memref<512x128xf32, #tpu.memory_space<vmem>> -> memref<128x128xf32, #tpu.memory_space<vmem>>
      %dma_start3A_27 = arith.constant 0 : i32
      %dma_start3A_28 = tpu.memref_slice %arg9[%run_scoped3A_17, %dma_start3A_27] : memref<4x128xi32, #tpu.memory_space<vmem>> -> memref<1x128xi32, #tpu.memory_space<vmem>>
      %dma_start3A_29 = tpu.memref_squeeze %dma_start3A_28 : memref<1x128xi32, #tpu.memory_space<vmem>> -> memref<128xi32, #tpu.memory_space<vmem>>
      %dma_start3A_30 = arith.constant 0 : i32
      %dma_start3A_31 = arith.constant 0 : i32
      %dma_start3A_32 = tpu.memref_slice %arg13[%dma_start3A_30, %dma_start3A_31] : memref<4096x128xf32, #tpu.memory_space<vmem_shared>> -> memref<4096x128xf32, #tpu.memory_space<vmem_shared>>
      tpu.enqueue_indirect_dma source(%dma_start3A_26 : memref<128x128xf32, #tpu.memory_space<vmem>>) target(%dma_start3A_32 : memref<4096x128xf32, #tpu.memory_space<vmem_shared>>) offsets(%dma_start3A_29 : memref<128xi32, #tpu.memory_space<vmem>>) semaphore(%run_scoped3A_24 : memref<!tpu.dma_semaphore, #tpu.memory_space<semaphore_mem>>) {add = true}
      %dma_wait3A = arith.constant 256 : i32
      %dma_wait3A_33 = arith.constant 0 : i32
      %dma_wait3A_34 = tpu.memref_slice %arg12[%dma_wait3A, %dma_wait3A_33] : memref<512x128xf32, #tpu.memory_space<vmem>> -> memref<128x128xf32, #tpu.memory_space<vmem>>
      %dma_wait3A_35 = arith.constant 0 : i32
      %dma_wait3A_36 = tpu.memref_slice %arg9[%run_scoped3A_17, %dma_wait3A_35] : memref<4x128xi32, #tpu.memory_space<vmem>> -> memref<1x128xi32, #tpu.memory_space<vmem>>
      %dma_wait3A_37 = tpu.memref_squeeze %dma_wait3A_36 : memref<1x128xi32, #tpu.memory_space<vmem>> -> memref<128xi32, #tpu.memory_space<vmem>>
      %dma_wait3A_38 = arith.constant 0 : i32
      %dma_wait3A_39 = arith.constant 0 : i32
      %dma_wait3A_40 = tpu.memref_slice %arg13[%dma_wait3A_38, %dma_wait3A_39] : memref<4096x128xf32, #tpu.memory_space<vmem_shared>> -> memref<4096x128xf32, #tpu.memory_space<vmem_shared>>
      tpu.wait_indirect_dma semaphore(%run_scoped3A_24 : memref<!tpu.dma_semaphore, #tpu.memory_space<semaphore_mem>>) src(%dma_wait3A_34 : memref<128x128xf32, #tpu.memory_space<vmem>>) dst(%dma_wait3A_40 : memref<4096x128xf32, #tpu.memory_space<vmem_shared>>)
      tpu.yield
    }) : () -> ()
    %run_scoped3A_18 = arith.constant 3 : i32
    "tpu.region"() ({
      %run_scoped3A_24 = tpu.sem_alloc : memref<!tpu.dma_semaphore, #tpu.memory_space<semaphore_mem>>
      %dma_start3A = arith.constant 384 : i32
      %dma_start3A_25 = arith.constant 0 : i32
      %dma_start3A_26 = tpu.memref_slice %arg12[%dma_start3A, %dma_start3A_25] : memref<512x128xf32, #tpu.memory_space<vmem>> -> memref<128x128xf32, #tpu.memory_space<vmem>>
      %dma_start3A_27 = arith.constant 0 : i32
      %dma_start3A_28 = tpu.memref_slice %arg9[%run_scoped3A_18, %dma_start3A_27] : memref<4x128xi32, #tpu.memory_space<vmem>> -> memref<1x128xi32, #tpu.memory_space<vmem>>
      %dma_start3A_29 = tpu.memref_squeeze %dma_start3A_28 : memref<1x128xi32, #tpu.memory_space<vmem>> -> memref<128xi32, #tpu.memory_space<vmem>>
      %dma_start3A_30 = arith.constant 0 : i32
      %dma_start3A_31 = arith.constant 0 : i32
      %dma_start3A_32 = tpu.memref_slice %arg13[%dma_start3A_30, %dma_start3A_31] : memref<4096x128xf32, #tpu.memory_space<vmem_shared>> -> memref<4096x128xf32, #tpu.memory_space<vmem_shared>>
      tpu.enqueue_indirect_dma source(%dma_start3A_26 : memref<128x128xf32, #tpu.memory_space<vmem>>) target(%dma_start3A_32 : memref<4096x128xf32, #tpu.memory_space<vmem_shared>>) offsets(%dma_start3A_29 : memref<128xi32, #tpu.memory_space<vmem>>) semaphore(%run_scoped3A_24 : memref<!tpu.dma_semaphore, #tpu.memory_space<semaphore_mem>>) {add = true}
      %dma_wait3A = arith.constant 384 : i32
      %dma_wait3A_33 = arith.constant 0 : i32
      %dma_wait3A_34 = tpu.memref_slice %arg12[%dma_wait3A, %dma_wait3A_33] : memref<512x128xf32, #tpu.memory_space<vmem>> -> memref<128x128xf32, #tpu.memory_space<vmem>>
      %dma_wait3A_35 = arith.constant 0 : i32
      %dma_wait3A_36 = tpu.memref_slice %arg9[%run_scoped3A_18, %dma_wait3A_35] : memref<4x128xi32, #tpu.memory_space<vmem>> -> memref<1x128xi32, #tpu.memory_space<vmem>>
      %dma_wait3A_37 = tpu.memref_squeeze %dma_wait3A_36 : memref<1x128xi32, #tpu.memory_space<vmem>> -> memref<128xi32, #tpu.memory_space<vmem>>
      %dma_wait3A_38 = arith.constant 0 : i32
      %dma_wait3A_39 = arith.constant 0 : i32
      %dma_wait3A_40 = tpu.memref_slice %arg13[%dma_wait3A_38, %dma_wait3A_39] : memref<4096x128xf32, #tpu.memory_space<vmem_shared>> -> memref<4096x128xf32, #tpu.memory_space<vmem_shared>>
      tpu.wait_indirect_dma semaphore(%run_scoped3A_24 : memref<!tpu.dma_semaphore, #tpu.memory_space<semaphore_mem>>) src(%dma_wait3A_34 : memref<128x128xf32, #tpu.memory_space<vmem>>) dst(%dma_wait3A_40 : memref<4096x128xf32, #tpu.memory_space<vmem_shared>>)
      tpu.yield
    }) : () -> ()
    %barrier3A_19 = arith.constant 0 : index
    tpu.barrier barrier_id(%barrier3A_19)
    %mul3A_20 = arith.constant 256 : i32
    %mul3A_21 = arith.muli %arg1, %mul3A_20 : i32
    %mul3A_22 = arith.constant 256 : i32
    %mul3A_23 = arith.muli %arg1, %mul3A_22 : i32
    "tpu.region"() ({
      %run_scoped3A_24 = tpu.sem_alloc : memref<!tpu.dma_semaphore, #tpu.memory_space<semaphore_mem>>
      %dma_start3A = arith.constant 0 : i32
      %dma_start3A_25 = tpu.memref_slice %arg7[%arg0, %mul3A_23, %dma_start3A] : memref<2x4096x128xf32, #tpu.memory_space<hbm>> -> memref<1x256x128xf32, #tpu.memory_space<hbm>>
      %dma_start3A_26 = tpu.memref_squeeze %dma_start3A_25 : memref<1x256x128xf32, #tpu.memory_space<hbm>> -> memref<256x128xf32, #tpu.memory_space<hbm>>
      %dma_start3A_27 = arith.constant 0 : i32
      %dma_start3A_28 = tpu.memref_slice %arg13[%mul3A_21, %dma_start3A_27] : memref<4096x128xf32, #tpu.memory_space<vmem_shared>> -> memref<256x128xf32, #tpu.memory_space<vmem_shared>>
      tpu.enqueue_dma source(%dma_start3A_28 : memref<256x128xf32, #tpu.memory_space<vmem_shared>>) target(%dma_start3A_26 : memref<256x128xf32, #tpu.memory_space<hbm>>) target_semaphore(%run_scoped3A_24 : memref<!tpu.dma_semaphore, #tpu.memory_space<semaphore_mem>>)
      %dma_wait3A = arith.constant 0 : i32
      %dma_wait3A_29 = tpu.memref_slice %arg7[%arg0, %mul3A_23, %dma_wait3A] : memref<2x4096x128xf32, #tpu.memory_space<hbm>> -> memref<1x256x128xf32, #tpu.memory_space<hbm>>
      %dma_wait3A_30 = tpu.memref_squeeze %dma_wait3A_29 : memref<1x256x128xf32, #tpu.memory_space<hbm>> -> memref<256x128xf32, #tpu.memory_space<hbm>>
      %dma_wait3A_31 = arith.constant 0 : i32
      %dma_wait3A_32 = tpu.memref_slice %arg13[%mul3A_21, %dma_wait3A_31] : memref<4096x128xf32, #tpu.memory_space<vmem_shared>> -> memref<256x128xf32, #tpu.memory_space<vmem_shared>>
      tpu.wait_dma2 semaphore(%run_scoped3A_24 : memref<!tpu.dma_semaphore, #tpu.memory_space<semaphore_mem>>) src(%dma_wait3A_32 : memref<256x128xf32, #tpu.memory_space<vmem_shared>>) dst(%dma_wait3A_30 : memref<256x128xf32, #tpu.memory_space<hbm>>)
      tpu.yield
    }) : () -> ()
    return
  }
}

module attributes {stable_mosaic.version = 14 : i64} {
  func.func @_prep_body(%arg0: i32, %arg1: memref<1x512x64xf32, #tpu.memory_space<vmem>>, %arg2: memref<1x4096x16xf32, #tpu.memory_space<vmem>>, %arg3: memref<1x4096x1xi32, #tpu.memory_space<vmem>>, %arg4: memref<1x4096x1xi32, #tpu.memory_space<vmem>>, %arg5: memref<16x64x64xf32, #tpu.memory_space<vmem>>, %arg6: memref<1x4096x128xf32, #tpu.memory_space<vmem>>, %arg7: memref<1x512x1xf32, #tpu.memory_space<vmem>>, %arg8: memref<1x4096x1xi32, #tpu.memory_space<vmem>>, %arg9: memref<1x4096x1xi32, #tpu.memory_space<vmem>>) attributes {dimension_semantics = [#tpu.dimension_semantics<arbitrary>], iteration_bounds = array<i64: 4>, scalar_prefetch = 0 : i64, scratch_operands = 0 : i64, tpu.core_type = #tpu.core_type<tc>, window_params = [{transform_indices = @transform_0, window_bounds = array<i64: 1, 512, 64>}, {transform_indices = @transform_1, window_bounds = array<i64: 1, 4096, 16>}, {transform_indices = @transform_2, window_bounds = array<i64: 1, 4096, 1>}, {transform_indices = @transform_3, window_bounds = array<i64: 1, 4096, 1>}, {pipeline_mode = #tpu.pipeline_mode<synchronous>, transform_indices = @transform_4, window_bounds = array<i64: 16, 64, 64>}, {transform_indices = @transform_5, window_bounds = array<i64: 1, 4096, 128>}, {transform_indices = @transform_6, window_bounds = array<i64: 1, 512, 1>}, {transform_indices = @transform_7, window_bounds = array<i64: 1, 4096, 1>}, {transform_indices = @transform_8, window_bounds = array<i64: 1, 4096, 1>}]} {
    %get3A = arith.constant 0 : index
    %get3A_0 = arith.constant 0 : index
    %get3A_1 = arith.constant 0 : index
    %get3A_2 = vector.load %arg5[%get3A, %get3A_0, %get3A_1] : memref<16x64x64xf32, #tpu.memory_space<vmem>>, vector<16x64x64xf32>
    %convert_element_type3A = arith.truncf %get3A_2 : vector<16x64x64xf32> to vector<16x64x64xbf16>
    %convert_element_type3A_3 = arith.extf %convert_element_type3A : vector<16x64x64xbf16> to vector<16x64x64xf32>
    %reduce_sum3A = arith.constant dense<0.000000e+00> : vector<16x64xf32>
    %reduce_sum3A_4 = vector.multi_reduction <add>, %convert_element_type3A_3, %reduce_sum3A [2] : vector<16x64x64xf32> to vector<16x64xf32>
    %get3A_5 = arith.constant 0 : index
    %get3A_6 = arith.constant 0 : index
    %get3A_7 = arith.constant 0 : index
    %get3A_8 = vector.load %arg2[%get3A_5, %get3A_6, %get3A_7] : memref<1x4096x16xf32, #tpu.memory_space<vmem>>, vector<1x4096x16xf32>
    %get3A_9 = vector.shape_cast %get3A_8 : vector<1x4096x16xf32> to vector<4096x16xf32>
    %convert_element_type3A_10 = arith.truncf %get3A_9 : vector<4096x16xf32> to vector<4096x16xbf16>
    %convert_element_type3A_11 = arith.extf %convert_element_type3A_10 : vector<4096x16xbf16> to vector<4096x16xf32>
    %dot_general3A = arith.constant dense<0.000000e+00> : vector<4096x64xf32>
    %dot_general3A_12 = tpu.matmul %convert_element_type3A_11, %reduce_sum3A_4, %dot_general3A {dimension_numbers = #tpu.dot_dimension_numbers<[1], [0], [0], [1], [0, 0, 1, 1], [], []>, precision = #tpu.contract_precision<fp32>, transpose_lhs_hint = false} : vector<4096x16xf32>, vector<16x64xf32>, vector<4096x64xf32> -> vector<4096x64xf32>
    %broadcast_in_dim3A = arith.constant 0.000000e+00 : f32
    %broadcast_in_dim3A_13 = vector.broadcast %broadcast_in_dim3A : f32 to vector<4096x64xf32>
    %concatenate3A = tpu.concatenate %dot_general3A_12, %broadcast_in_dim3A_13 in 1 : vector<4096x64xf32>, vector<4096x64xf32> -> vector<4096x128xf32>
    %swap3A = arith.constant 0 : index
    %swap3A_14 = arith.constant 0 : index
    %swap3A_15 = arith.constant 0 : index
    %swap3A_16 = vector.load %arg6[%swap3A, %swap3A_14, %swap3A_15] : memref<1x4096x128xf32, #tpu.memory_space<vmem>>, vector<1x4096x128xf32>
    %swap3A_17 = vector.shape_cast %swap3A_16 : vector<1x4096x128xf32> to vector<4096x128xf32>
    %swap3A_18 = vector.shape_cast %concatenate3A : vector<4096x128xf32> to vector<1x4096x128xf32>
    tpu.vector_store %arg6[%swap3A, %swap3A_14, %swap3A_15], %swap3A_18 {strides = array<i32>} : memref<1x4096x128xf32, #tpu.memory_space<vmem>>, vector<1x4096x128xf32>,
    %get3A_19 = arith.constant 0 : index
    %get3A_20 = arith.constant 0 : index
    %get3A_21 = arith.constant 0 : index
    %get3A_22 = vector.load %arg1[%get3A_19, %get3A_20, %get3A_21] : memref<1x512x64xf32, #tpu.memory_space<vmem>>, vector<1x512x64xf32>
    %get3A_23 = vector.shape_cast %get3A_22 : vector<1x512x64xf32> to vector<512x64xf32>
    %reduce_sum3A_24 = arith.constant dense<0.000000e+00> : vector<512xf32>
    %reduce_sum3A_25 = vector.multi_reduction <add>, %get3A_23, %reduce_sum3A_24 [1] : vector<512x64xf32> to vector<512xf32>
    %broadcast_in_dim3A_26 = vector.shape_cast %reduce_sum3A_25 : vector<512xf32> to vector<512x1xf32>
    %swap3A_27 = arith.constant 0 : index
    %swap3A_28 = arith.constant 0 : index
    %swap3A_29 = arith.constant 0 : index
    %swap3A_30 = vector.load %arg7[%swap3A_27, %swap3A_28, %swap3A_29] : memref<1x512x1xf32, #tpu.memory_space<vmem>>, vector<1x512x1xf32>
    %swap3A_31 = vector.shape_cast %swap3A_30 : vector<1x512x1xf32> to vector<512x1xf32>
    %swap3A_32 = vector.shape_cast %broadcast_in_dim3A_26 : vector<512x1xf32> to vector<1x512x1xf32>
    tpu.vector_store %arg7[%swap3A_27, %swap3A_28, %swap3A_29], %swap3A_32 {strides = array<i32>} : memref<1x512x1xf32, #tpu.memory_space<vmem>>, vector<1x512x1xf32>,
    %get3A_33 = arith.constant 0 : index
    %get3A_34 = arith.constant 0 : index
    %get3A_35 = arith.constant 0 : index
    %get3A_36 = vector.load %arg3[%get3A_33, %get3A_34, %get3A_35] : memref<1x4096x1xi32, #tpu.memory_space<vmem>>, vector<1x4096x1xi32>
    %get3A_37 = vector.shape_cast %get3A_36 : vector<1x4096x1xi32> to vector<4096x1xi32>
    %mul3A = arith.constant 512 : i32
    %mul3A_38 = arith.muli %arg0, %mul3A : i32
    %add3A = vector.broadcast %mul3A_38 : i32 to vector<4096x1xi32>
    %add3A_39 = arith.addi %get3A_37, %add3A : vector<4096x1xi32>
    %swap3A_40 = arith.constant 0 : index
    %swap3A_41 = arith.constant 0 : index
    %swap3A_42 = arith.constant 0 : index
    %swap3A_43 = vector.load %arg8[%swap3A_40, %swap3A_41, %swap3A_42] : memref<1x4096x1xi32, #tpu.memory_space<vmem>>, vector<1x4096x1xi32>
    %swap3A_44 = vector.shape_cast %swap3A_43 : vector<1x4096x1xi32> to vector<4096x1xi32>
    %swap3A_45 = vector.shape_cast %add3A_39 : vector<4096x1xi32> to vector<1x4096x1xi32>
    tpu.vector_store %arg8[%swap3A_40, %swap3A_41, %swap3A_42], %swap3A_45 {strides = array<i32>} : memref<1x4096x1xi32, #tpu.memory_space<vmem>>, vector<1x4096x1xi32>,
    %get3A_46 = arith.constant 0 : index
    %get3A_47 = arith.constant 0 : index
    %get3A_48 = arith.constant 0 : index
    %get3A_49 = vector.load %arg4[%get3A_46, %get3A_47, %get3A_48] : memref<1x4096x1xi32, #tpu.memory_space<vmem>>, vector<1x4096x1xi32>
    %get3A_50 = vector.shape_cast %get3A_49 : vector<1x4096x1xi32> to vector<4096x1xi32>
    %mul3A_51 = arith.constant 8 : i32
    %mul3A_52 = vector.broadcast %mul3A_51 : i32 to vector<4096x1xi32>
    %mul3A_53 = arith.muli %get3A_50, %mul3A_52 : vector<4096x1xi32>
    %add3A_54 = vector.broadcast %arg0 : i32 to vector<4096x1xi32>
    %add3A_55 = arith.addi %mul3A_53, %add3A_54 : vector<4096x1xi32>
    %swap3A_56 = arith.constant 0 : index
    %swap3A_57 = arith.constant 0 : index
    %swap3A_58 = arith.constant 0 : index
    %swap3A_59 = vector.load %arg9[%swap3A_56, %swap3A_57, %swap3A_58] : memref<1x4096x1xi32, #tpu.memory_space<vmem>>, vector<1x4096x1xi32>
    %swap3A_60 = vector.shape_cast %swap3A_59 : vector<1x4096x1xi32> to vector<4096x1xi32>
    %swap3A_61 = vector.shape_cast %add3A_55 : vector<4096x1xi32> to vector<1x4096x1xi32>
    tpu.vector_store %arg9[%swap3A_56, %swap3A_57, %swap3A_58], %swap3A_61 {strides = array<i32>} : memref<1x4096x1xi32, #tpu.memory_space<vmem>>, vector<1x4096x1xi32>,
    return
  }
  func.func @transform_0(%arg0: i32) -> (i32, i32, i32) {
    %c0_i32 = arith.constant 0 : i32
    %c0_i32_0 = arith.constant 0 : i32
    %c0_i32_1 = arith.constant 0 : i32
    return %arg0, %c0_i32, %c0_i32_0 : i32, i32, i32
  }
  func.func @transform_1(%arg0: i32) -> (i32, i32, i32) {
    %c0_i32 = arith.constant 0 : i32
    %c0_i32_0 = arith.constant 0 : i32
    %c0_i32_1 = arith.constant 0 : i32
    return %arg0, %c0_i32, %c0_i32_0 : i32, i32, i32
  }
  func.func @transform_2(%arg0: i32) -> (i32, i32, i32) {
    %c0_i32 = arith.constant 0 : i32
    %c0_i32_0 = arith.constant 0 : i32
    %c0_i32_1 = arith.constant 0 : i32
    return %arg0, %c0_i32, %c0_i32_0 : i32, i32, i32
  }
  func.func @transform_3(%arg0: i32) -> (i32, i32, i32) {
    %c0_i32 = arith.constant 0 : i32
    %c0_i32_0 = arith.constant 0 : i32
    %c0_i32_1 = arith.constant 0 : i32
    return %arg0, %c0_i32, %c0_i32_0 : i32, i32, i32
  }
  func.func @transform_4(%arg0: i32) -> (i32, i32, i32) {
    %c0_i32 = arith.constant 0 : i32
    %c0_i32_0 = arith.constant 0 : i32
    %c0_i32_1 = arith.constant 0 : i32
    %c0_i32_2 = arith.constant 0 : i32
    return %c0_i32, %c0_i32_0, %c0_i32_1 : i32, i32, i32
  }
  func.func @transform_5(%arg0: i32) -> (i32, i32, i32) {
    %c0_i32 = arith.constant 0 : i32
    %c0_i32_0 = arith.constant 0 : i32
    %c0_i32_1 = arith.constant 0 : i32
    return %arg0, %c0_i32, %c0_i32_0 : i32, i32, i32
  }
  func.func @transform_6(%arg0: i32) -> (i32, i32, i32) {
    %c0_i32 = arith.constant 0 : i32
    %c0_i32_0 = arith.constant 0 : i32
    %c0_i32_1 = arith.constant 0 : i32
    return %arg0, %c0_i32, %c0_i32_0 : i32, i32, i32
  }
  func.func @transform_7(%arg0: i32) -> (i32, i32, i32) {
    %c0_i32 = arith.constant 0 : i32
    %c0_i32_0 = arith.constant 0 : i32
    %c0_i32_1 = arith.constant 0 : i32
    return %arg0, %c0_i32, %c0_i32_0 : i32, i32, i32
  }
  func.func @transform_8(%arg0: i32) -> (i32, i32, i32) {
    %c0_i32 = arith.constant 0 : i32
    %c0_i32_0 = arith.constant 0 : i32
    %c0_i32_1 = arith.constant 0 : i32
    return %arg0, %c0_i32, %c0_i32_0 : i32, i32, i32
  }
}

module attributes {stable_mosaic.version = 14 : i64} {
  func.func @_gru_body(%arg0: memref<4096x64xf32, #tpu.memory_space<vmem>>, %arg1: memref<2x4096x128xf32, #tpu.memory_space<vmem>>, %arg2: memref<128x192xf32, #tpu.memory_space<vmem>>, %arg3: memref<64x192xf32, #tpu.memory_space<vmem>>, %arg4: memref<2x192xf32, #tpu.memory_space<vmem>>, %arg5: memref<4096x64xf32, #tpu.memory_space<vmem>>, %arg6: memref<4096x192xf32, #tpu.memory_space<vmem>>) attributes {dimension_semantics = [], scalar_prefetch = 0 : i64, scratch_operands = 1 : i64, tpu.core_type = #tpu.core_type<tc>} {
    %get3A = arith.constant 0 : index
    %get3A_0 = arith.constant 0 : index
    %get3A_1 = vector.load %arg0[%get3A, %get3A_0] : memref<4096x64xf32, #tpu.memory_space<vmem>>, vector<4096x64xf32>
    %get3A_2 = arith.constant 0 : index
    %get3A_3 = arith.constant 0 : index
    %get3A_4 = arith.constant 0 : index
    %get3A_5 = vector.load %arg1[%get3A_2, %get3A_3, %get3A_4] : memref<2x4096x128xf32, #tpu.memory_space<vmem>>, vector<1x4096x64xf32>
    %get3A_6 = vector.shape_cast %get3A_5 : vector<1x4096x64xf32> to vector<4096x64xf32>
    %get3A_7 = arith.constant 1 : index
    %get3A_8 = arith.constant 0 : index
    %get3A_9 = arith.constant 0 : index
    %get3A_10 = vector.load %arg1[%get3A_7, %get3A_8, %get3A_9] : memref<2x4096x128xf32, #tpu.memory_space<vmem>>, vector<1x4096x64xf32>
    %get3A_11 = vector.shape_cast %get3A_10 : vector<1x4096x64xf32> to vector<4096x64xf32>
    %add3A = arith.addf %get3A_6, %get3A_11 : vector<4096x64xf32>
    %get3A_12 = arith.constant 0 : index
    %get3A_13 = arith.constant 0 : index
    %get3A_14 = vector.load %arg2[%get3A_12, %get3A_13] : memref<128x192xf32, #tpu.memory_space<vmem>>, vector<64x192xf32>
    %dot_general3A = arith.constant dense<0.000000e+00> : vector<4096x192xf32>
    %dot_general3A_15 = tpu.matmul %get3A_1, %get3A_14, %dot_general3A {dimension_numbers = #tpu.dot_dimension_numbers<[1], [0], [0], [1], [0, 0, 1, 1], [], []>, transpose_lhs_hint = false} : vector<4096x64xf32>, vector<64x192xf32>, vector<4096x192xf32> -> vector<4096x192xf32>
    %get3A_16 = arith.constant 64 : index
    %get3A_17 = arith.constant 0 : index
    %get3A_18 = vector.load %arg2[%get3A_16, %get3A_17] : memref<128x192xf32, #tpu.memory_space<vmem>>, vector<64x192xf32>
    %dot_general3A_19 = arith.constant dense<0.000000e+00> : vector<4096x192xf32>
    %dot_general3A_20 = tpu.matmul %add3A, %get3A_18, %dot_general3A_19 {dimension_numbers = #tpu.dot_dimension_numbers<[1], [0], [0], [1], [0, 0, 1, 1], [], []>, transpose_lhs_hint = false} : vector<4096x64xf32>, vector<64x192xf32>, vector<4096x192xf32> -> vector<4096x192xf32>
    %add3A_21 = arith.addf %dot_general3A_15, %dot_general3A_20 : vector<4096x192xf32>
    %get3A_22 = arith.constant 0 : index
    %get3A_23 = arith.constant 0 : index
    %get3A_24 = vector.load %arg4[%get3A_22, %get3A_23] : memref<2x192xf32, #tpu.memory_space<vmem>>, vector<1x192xf32>
    %add3A_25 = vector.broadcast %get3A_24 : vector<1x192xf32> to vector<4096x192xf32>
    %add3A_26 = arith.addf %add3A_21, %add3A_25 : vector<4096x192xf32>
    %swap3A = arith.constant 0 : index
    %swap3A_27 = arith.constant 0 : index
    %swap3A_28 = vector.load %arg6[%swap3A, %swap3A_27] : memref<4096x192xf32, #tpu.memory_space<vmem>>, vector<4096x192xf32>
    tpu.vector_store %arg6[%swap3A, %swap3A_27], %add3A_26 {strides = array<i32>} : memref<4096x192xf32, #tpu.memory_space<vmem>>, vector<4096x192xf32>,
    %get3A_29 = arith.constant 0 : index
    %get3A_30 = arith.constant 0 : index
    %get3A_31 = vector.load %arg3[%get3A_29, %get3A_30] : memref<64x192xf32, #tpu.memory_space<vmem>>, vector<64x192xf32>
    %get3A_32 = arith.constant 1 : index
    %get3A_33 = arith.constant 0 : index
    %get3A_34 = vector.load %arg4[%get3A_32, %get3A_33] : memref<2x192xf32, #tpu.memory_space<vmem>>, vector<1x192xf32>
    %broadcast_in_dim3A = arith.constant 0.000000e+00 : f32
    %broadcast_in_dim3A_35 = vector.broadcast %broadcast_in_dim3A : f32 to vector<8x64xf32>
    %scan3A = arith.constant 0 : i32
    %scan3A_36 = arith.constant 64 : i32
    %scan3A_37 = arith.addi %scan3A, %scan3A_36 : i32
    %scan3A_38 = arith.constant 1 : i32
    %scan3A_39 = scf.for %scan3A_41 = %scan3A to %scan3A_37 step %scan3A_38 iter_args(%scan3A_42 = %broadcast_in_dim3A_35) -> (vector<8x64xf32>)  : i32 {
      %mul3A = arith.constant 64 : i32
      %mul3A_43 = arith.muli %scan3A_41, %mul3A : i32
      %get3A_44 = arith.index_cast %mul3A_43 : i32 to index
      %get3A_45 = arith.constant 0 : index
      %get3A_46 = vector.load %arg6[%get3A_44, %get3A_45] : memref<4096x192xf32, #tpu.memory_space<vmem>>, vector<64x192xf32>
      %slice3A = vector.extract_strided_slice %get3A_46 {offsets = [0, 0], sizes = [8, 192], strides = [1, 1]} : vector<64x192xf32> to vector<8x192xf32>
      %dot_general3A_47 = arith.constant dense<0.000000e+00> : vector<8x192xf32>
      %dot_general3A_48 = tpu.matmul %scan3A_42, %get3A_31, %dot_general3A_47 {dimension_numbers = #tpu.dot_dimension_numbers<[1], [0], [0], [1], [0, 0, 1, 1], [], []>, transpose_lhs_hint = false} : vector<8x64xf32>, vector<64x192xf32>, vector<8x192xf32> -> vector<8x192xf32>
      %add3A_49 = vector.broadcast %get3A_34 : vector<1x192xf32> to vector<8x192xf32>
      %add3A_50 = arith.addf %dot_general3A_48, %add3A_49 : vector<8x192xf32>
      %slice3A_51 = vector.extract_strided_slice %slice3A {offsets = [0, 0], sizes = [8, 64], strides = [1, 1]} : vector<8x192xf32> to vector<8x64xf32>
      %slice3A_52 = vector.extract_strided_slice %slice3A {offsets = [0, 64], sizes = [8, 64], strides = [1, 1]} : vector<8x192xf32> to vector<8x64xf32>
      %slice3A_53 = vector.extract_strided_slice %slice3A {offsets = [0, 128], sizes = [8, 64], strides = [1, 1]} : vector<8x192xf32> to vector<8x64xf32>
      %slice3A_54 = vector.extract_strided_slice %add3A_50 {offsets = [0, 0], sizes = [8, 64], strides = [1, 1]} : vector<8x192xf32> to vector<8x64xf32>
      %slice3A_55 = vector.extract_strided_slice %add3A_50 {offsets = [0, 64], sizes = [8, 64], strides = [1, 1]} : vector<8x192xf32> to vector<8x64xf32>
      %slice3A_56 = vector.extract_strided_slice %add3A_50 {offsets = [0, 128], sizes = [8, 64], strides = [1, 1]} : vector<8x192xf32> to vector<8x64xf32>
      %add3A_57 = arith.addf %slice3A_51, %slice3A_54 : vector<8x64xf32>
      %logistic3A = arith.negf %add3A_57 : vector<8x64xf32>
      %logistic3A_58 = math.exp %logistic3A : vector<8x64xf32>
      %logistic3A_59 = arith.constant 1.000000e+00 : f32
      %logistic3A_60 = vector.broadcast %logistic3A_59 : f32 to vector<8x64xf32>
      %logistic3A_61 = arith.addf %logistic3A_60, %logistic3A_58 : vector<8x64xf32>
      %logistic3A_62 = arith.divf %logistic3A_60, %logistic3A_61 : vector<8x64xf32>
      %add3A_63 = arith.addf %slice3A_52, %slice3A_55 : vector<8x64xf32>
      %logistic3A_64 = arith.negf %add3A_63 : vector<8x64xf32>
      %logistic3A_65 = math.exp %logistic3A_64 : vector<8x64xf32>
      %logistic3A_66 = arith.constant 1.000000e+00 : f32
      %logistic3A_67 = vector.broadcast %logistic3A_66 : f32 to vector<8x64xf32>
      %logistic3A_68 = arith.addf %logistic3A_67, %logistic3A_65 : vector<8x64xf32>
      %logistic3A_69 = arith.divf %logistic3A_67, %logistic3A_68 : vector<8x64xf32>
      %mul3A_70 = arith.mulf %logistic3A_69, %slice3A_56 : vector<8x64xf32>
      %add3A_71 = arith.addf %slice3A_53, %mul3A_70 : vector<8x64xf32>
      %tanh3A = math.tanh %add3A_71 : vector<8x64xf32>
      %mul3A_72 = arith.mulf %logistic3A_62, %scan3A_42 : vector<8x64xf32>
      %sub3A = arith.constant 1.000000e+00 : f32
      %sub3A_73 = vector.broadcast %sub3A : f32 to vector<8x64xf32>
      %sub3A_74 = arith.subf %sub3A_73, %logistic3A_62 : vector<8x64xf32>
      %mul3A_75 = arith.mulf %sub3A_74, %tanh3A : vector<8x64xf32>
      %add3A_76 = arith.addf %mul3A_72, %mul3A_75 : vector<8x64xf32>
      %slice3A_77 = vector.extract_strided_slice %get3A_46 {offsets = [8, 0], sizes = [8, 192], strides = [1, 1]} : vector<64x192xf32> to vector<8x192xf32>
      %dot_general3A_78 = arith.constant dense<0.000000e+00> : vector<8x192xf32>
      %dot_general3A_79 = tpu.matmul %add3A_76, %get3A_31, %dot_general3A_78 {dimension_numbers = #tpu.dot_dimension_numbers<[1], [0], [0], [1], [0, 0, 1, 1], [], []>, transpose_lhs_hint = false} : vector<8x64xf32>, vector<64x192xf32>, vector<8x192xf32> -> vector<8x192xf32>
      %add3A_80 = vector.broadcast %get3A_34 : vector<1x192xf32> to vector<8x192xf32>
      %add3A_81 = arith.addf %dot_general3A_79, %add3A_80 : vector<8x192xf32>
      %slice3A_82 = vector.extract_strided_slice %slice3A_77 {offsets = [0, 0], sizes = [8, 64], strides = [1, 1]} : vector<8x192xf32> to vector<8x64xf32>
      %slice3A_83 = vector.extract_strided_slice %slice3A_77 {offsets = [0, 64], sizes = [8, 64], strides = [1, 1]} : vector<8x192xf32> to vector<8x64xf32>
      %slice3A_84 = vector.extract_strided_slice %slice3A_77 {offsets = [0, 128], sizes = [8, 64], strides = [1, 1]} : vector<8x192xf32> to vector<8x64xf32>
      %slice3A_85 = vector.extract_strided_slice %add3A_81 {offsets = [0, 0], sizes = [8, 64], strides = [1, 1]} : vector<8x192xf32> to vector<8x64xf32>
      %slice3A_86 = vector.extract_strided_slice %add3A_81 {offsets = [0, 64], sizes = [8, 64], strides = [1, 1]} : vector<8x192xf32> to vector<8x64xf32>
      %slice3A_87 = vector.extract_strided_slice %add3A_81 {offsets = [0, 128], sizes = [8, 64], strides = [1, 1]} : vector<8x192xf32> to vector<8x64xf32>
      %add3A_88 = arith.addf %slice3A_82, %slice3A_85 : vector<8x64xf32>
      %logistic3A_89 = arith.negf %add3A_88 : vector<8x64xf32>
      %logistic3A_90 = math.exp %logistic3A_89 : vector<8x64xf32>
      %logistic3A_91 = arith.constant 1.000000e+00 : f32
      %logistic3A_92 = vector.broadcast %logistic3A_91 : f32 to vector<8x64xf32>
      %logistic3A_93 = arith.addf %logistic3A_92, %logistic3A_90 : vector<8x64xf32>
      %logistic3A_94 = arith.divf %logistic3A_92, %logistic3A_93 : vector<8x64xf32>
      %add3A_95 = arith.addf %slice3A_83, %slice3A_86 : vector<8x64xf32>
      %logistic3A_96 = arith.negf %add3A_95 : vector<8x64xf32>
      %logistic3A_97 = math.exp %logistic3A_96 : vector<8x64xf32>
      %logistic3A_98 = arith.constant 1.000000e+00 : f32
      %logistic3A_99 = vector.broadcast %logistic3A_98 : f32 to vector<8x64xf32>
      %logistic3A_100 = arith.addf %logistic3A_99, %logistic3A_97 : vector<8x64xf32>
      %logistic3A_101 = arith.divf %logistic3A_99, %logistic3A_100 : vector<8x64xf32>
      %mul3A_102 = arith.mulf %logistic3A_101, %slice3A_87 : vector<8x64xf32>
      %add3A_103 = arith.addf %slice3A_84, %mul3A_102 : vector<8x64xf32>
      %tanh3A_104 = math.tanh %add3A_103 : vector<8x64xf32>
      %mul3A_105 = arith.mulf %logistic3A_94, %add3A_76 : vector<8x64xf32>
      %sub3A_106 = arith.constant 1.000000e+00 : f32
      %sub3A_107 = vector.broadcast %sub3A_106 : f32 to vector<8x64xf32>
      %sub3A_108 = arith.subf %sub3A_107, %logistic3A_94 : vector<8x64xf32>
      %mul3A_109 = arith.mulf %sub3A_108, %tanh3A_104 : vector<8x64xf32>
      %add3A_110 = arith.addf %mul3A_105, %mul3A_109 : vector<8x64xf32>
      %slice3A_111 = vector.extract_strided_slice %get3A_46 {offsets = [16, 0], sizes = [8, 192], strides = [1, 1]} : vector<64x192xf32> to vector<8x192xf32>
      %dot_general3A_112 = arith.constant dense<0.000000e+00> : vector<8x192xf32>
      %dot_general3A_113 = tpu.matmul %add3A_110, %get3A_31, %dot_general3A_112 {dimension_numbers = #tpu.dot_dimension_numbers<[1], [0], [0], [1], [0, 0, 1, 1], [], []>, transpose_lhs_hint = false} : vector<8x64xf32>, vector<64x192xf32>, vector<8x192xf32> -> vector<8x192xf32>
      %add3A_114 = vector.broadcast %get3A_34 : vector<1x192xf32> to vector<8x192xf32>
      %add3A_115 = arith.addf %dot_general3A_113, %add3A_114 : vector<8x192xf32>
      %slice3A_116 = vector.extract_strided_slice %slice3A_111 {offsets = [0, 0], sizes = [8, 64], strides = [1, 1]} : vector<8x192xf32> to vector<8x64xf32>
      %slice3A_117 = vector.extract_strided_slice %slice3A_111 {offsets = [0, 64], sizes = [8, 64], strides = [1, 1]} : vector<8x192xf32> to vector<8x64xf32>
      %slice3A_118 = vector.extract_strided_slice %slice3A_111 {offsets = [0, 128], sizes = [8, 64], strides = [1, 1]} : vector<8x192xf32> to vector<8x64xf32>
      %slice3A_119 = vector.extract_strided_slice %add3A_115 {offsets = [0, 0], sizes = [8, 64], strides = [1, 1]} : vector<8x192xf32> to vector<8x64xf32>
      %slice3A_120 = vector.extract_strided_slice %add3A_115 {offsets = [0, 64], sizes = [8, 64], strides = [1, 1]} : vector<8x192xf32> to vector<8x64xf32>
      %slice3A_121 = vector.extract_strided_slice %add3A_115 {offsets = [0, 128], sizes = [8, 64], strides = [1, 1]} : vector<8x192xf32> to vector<8x64xf32>
      %add3A_122 = arith.addf %slice3A_116, %slice3A_119 : vector<8x64xf32>
      %logistic3A_123 = arith.negf %add3A_122 : vector<8x64xf32>
      %logistic3A_124 = math.exp %logistic3A_123 : vector<8x64xf32>
      %logistic3A_125 = arith.constant 1.000000e+00 : f32
      %logistic3A_126 = vector.broadcast %logistic3A_125 : f32 to vector<8x64xf32>
      %logistic3A_127 = arith.addf %logistic3A_126, %logistic3A_124 : vector<8x64xf32>
      %logistic3A_128 = arith.divf %logistic3A_126, %logistic3A_127 : vector<8x64xf32>
      %add3A_129 = arith.addf %slice3A_117, %slice3A_120 : vector<8x64xf32>
      %logistic3A_130 = arith.negf %add3A_129 : vector<8x64xf32>
      %logistic3A_131 = math.exp %logistic3A_130 : vector<8x64xf32>
      %logistic3A_132 = arith.constant 1.000000e+00 : f32
      %logistic3A_133 = vector.broadcast %logistic3A_132 : f32 to vector<8x64xf32>
      %logistic3A_134 = arith.addf %logistic3A_133, %logistic3A_131 : vector<8x64xf32>
      %logistic3A_135 = arith.divf %logistic3A_133, %logistic3A_134 : vector<8x64xf32>
      %mul3A_136 = arith.mulf %logistic3A_135, %slice3A_121 : vector<8x64xf32>
      %add3A_137 = arith.addf %slice3A_118, %mul3A_136 : vector<8x64xf32>
      %tanh3A_138 = math.tanh %add3A_137 : vector<8x64xf32>
      %mul3A_139 = arith.mulf %logistic3A_128, %add3A_110 : vector<8x64xf32>
      %sub3A_140 = arith.constant 1.000000e+00 : f32
      %sub3A_141 = vector.broadcast %sub3A_140 : f32 to vector<8x64xf32>
      %sub3A_142 = arith.subf %sub3A_141, %logistic3A_128 : vector<8x64xf32>
      %mul3A_143 = arith.mulf %sub3A_142, %tanh3A_138 : vector<8x64xf32>
      %add3A_144 = arith.addf %mul3A_139, %mul3A_143 : vector<8x64xf32>
      %slice3A_145 = vector.extract_strided_slice %get3A_46 {offsets = [24, 0], sizes = [8, 192], strides = [1, 1]} : vector<64x192xf32> to vector<8x192xf32>
      %dot_general3A_146 = arith.constant dense<0.000000e+00> : vector<8x192xf32>
      %dot_general3A_147 = tpu.matmul %add3A_144, %get3A_31, %dot_general3A_146 {dimension_numbers = #tpu.dot_dimension_numbers<[1], [0], [0], [1], [0, 0, 1, 1], [], []>, transpose_lhs_hint = false} : vector<8x64xf32>, vector<64x192xf32>, vector<8x192xf32> -> vector<8x192xf32>
      %add3A_148 = vector.broadcast %get3A_34 : vector<1x192xf32> to vector<8x192xf32>
      %add3A_149 = arith.addf %dot_general3A_147, %add3A_148 : vector<8x192xf32>
      %slice3A_150 = vector.extract_strided_slice %slice3A_145 {offsets = [0, 0], sizes = [8, 64], strides = [1, 1]} : vector<8x192xf32> to vector<8x64xf32>
      %slice3A_151 = vector.extract_strided_slice %slice3A_145 {offsets = [0, 64], sizes = [8, 64], strides = [1, 1]} : vector<8x192xf32> to vector<8x64xf32>
      %slice3A_152 = vector.extract_strided_slice %slice3A_145 {offsets = [0, 128], sizes = [8, 64], strides = [1, 1]} : vector<8x192xf32> to vector<8x64xf32>
      %slice3A_153 = vector.extract_strided_slice %add3A_149 {offsets = [0, 0], sizes = [8, 64], strides = [1, 1]} : vector<8x192xf32> to vector<8x64xf32>
      %slice3A_154 = vector.extract_strided_slice %add3A_149 {offsets = [0, 64], sizes = [8, 64], strides = [1, 1]} : vector<8x192xf32> to vector<8x64xf32>
      %slice3A_155 = vector.extract_strided_slice %add3A_149 {offsets = [0, 128], sizes = [8, 64], strides = [1, 1]} : vector<8x192xf32> to vector<8x64xf32>
      %add3A_156 = arith.addf %slice3A_150, %slice3A_153 : vector<8x64xf32>
      %logistic3A_157 = arith.negf %add3A_156 : vector<8x64xf32>
      %logistic3A_158 = math.exp %logistic3A_157 : vector<8x64xf32>
      %logistic3A_159 = arith.constant 1.000000e+00 : f32
      %logistic3A_160 = vector.broadcast %logistic3A_159 : f32 to vector<8x64xf32>
      %logistic3A_161 = arith.addf %logistic3A_160, %logistic3A_158 : vector<8x64xf32>
      %logistic3A_162 = arith.divf %logistic3A_160, %logistic3A_161 : vector<8x64xf32>
      %add3A_163 = arith.addf %slice3A_151, %slice3A_154 : vector<8x64xf32>
      %logistic3A_164 = arith.negf %add3A_163 : vector<8x64xf32>
      %logistic3A_165 = math.exp %logistic3A_164 : vector<8x64xf32>
      %logistic3A_166 = arith.constant 1.000000e+00 : f32
      %logistic3A_167 = vector.broadcast %logistic3A_166 : f32 to vector<8x64xf32>
      %logistic3A_168 = arith.addf %logistic3A_167, %logistic3A_165 : vector<8x64xf32>
      %logistic3A_169 = arith.divf %logistic3A_167, %logistic3A_168 : vector<8x64xf32>
      %mul3A_170 = arith.mulf %logistic3A_169, %slice3A_155 : vector<8x64xf32>
      %add3A_171 = arith.addf %slice3A_152, %mul3A_170 : vector<8x64xf32>
      %tanh3A_172 = math.tanh %add3A_171 : vector<8x64xf32>
      %mul3A_173 = arith.mulf %logistic3A_162, %add3A_144 : vector<8x64xf32>
      %sub3A_174 = arith.constant 1.000000e+00 : f32
      %sub3A_175 = vector.broadcast %sub3A_174 : f32 to vector<8x64xf32>
      %sub3A_176 = arith.subf %sub3A_175, %logistic3A_162 : vector<8x64xf32>
      %mul3A_177 = arith.mulf %sub3A_176, %tanh3A_172 : vector<8x64xf32>
      %add3A_178 = arith.addf %mul3A_173, %mul3A_177 : vector<8x64xf32>
      %slice3A_179 = vector.extract_strided_slice %get3A_46 {offsets = [32, 0], sizes = [8, 192], strides = [1, 1]} : vector<64x192xf32> to vector<8x192xf32>
      %dot_general3A_180 = arith.constant dense<0.000000e+00> : vector<8x192xf32>
      %dot_general3A_181 = tpu.matmul %add3A_178, %get3A_31, %dot_general3A_180 {dimension_numbers = #tpu.dot_dimension_numbers<[1], [0], [0], [1], [0, 0, 1, 1], [], []>, transpose_lhs_hint = false} : vector<8x64xf32>, vector<64x192xf32>, vector<8x192xf32> -> vector<8x192xf32>
      %add3A_182 = vector.broadcast %get3A_34 : vector<1x192xf32> to vector<8x192xf32>
      %add3A_183 = arith.addf %dot_general3A_181, %add3A_182 : vector<8x192xf32>
      %slice3A_184 = vector.extract_strided_slice %slice3A_179 {offsets = [0, 0], sizes = [8, 64], strides = [1, 1]} : vector<8x192xf32> to vector<8x64xf32>
      %slice3A_185 = vector.extract_strided_slice %slice3A_179 {offsets = [0, 64], sizes = [8, 64], strides = [1, 1]} : vector<8x192xf32> to vector<8x64xf32>
      %slice3A_186 = vector.extract_strided_slice %slice3A_179 {offsets = [0, 128], sizes = [8, 64], strides = [1, 1]} : vector<8x192xf32> to vector<8x64xf32>
      %slice3A_187 = vector.extract_strided_slice %add3A_183 {offsets = [0, 0], sizes = [8, 64], strides = [1, 1]} : vector<8x192xf32> to vector<8x64xf32>
      %slice3A_188 = vector.extract_strided_slice %add3A_183 {offsets = [0, 64], sizes = [8, 64], strides = [1, 1]} : vector<8x192xf32> to vector<8x64xf32>
      %slice3A_189 = vector.extract_strided_slice %add3A_183 {offsets = [0, 128], sizes = [8, 64], strides = [1, 1]} : vector<8x192xf32> to vector<8x64xf32>
      %add3A_190 = arith.addf %slice3A_184, %slice3A_187 : vector<8x64xf32>
      %logistic3A_191 = arith.negf %add3A_190 : vector<8x64xf32>
      %logistic3A_192 = math.exp %logistic3A_191 : vector<8x64xf32>
      %logistic3A_193 = arith.constant 1.000000e+00 : f32
      %logistic3A_194 = vector.broadcast %logistic3A_193 : f32 to vector<8x64xf32>
      %logistic3A_195 = arith.addf %logistic3A_194, %logistic3A_192 : vector<8x64xf32>
      %logistic3A_196 = arith.divf %logistic3A_194, %logistic3A_195 : vector<8x64xf32>
      %add3A_197 = arith.addf %slice3A_185, %slice3A_188 : vector<8x64xf32>
      %logistic3A_198 = arith.negf %add3A_197 : vector<8x64xf32>
      %logistic3A_199 = math.exp %logistic3A_198 : vector<8x64xf32>
      %logistic3A_200 = arith.constant 1.000000e+00 : f32
      %logistic3A_201 = vector.broadcast %logistic3A_200 : f32 to vector<8x64xf32>
      %logistic3A_202 = arith.addf %logistic3A_201, %logistic3A_199 : vector<8x64xf32>
      %logistic3A_203 = arith.divf %logistic3A_201, %logistic3A_202 : vector<8x64xf32>
      %mul3A_204 = arith.mulf %logistic3A_203, %slice3A_189 : vector<8x64xf32>
      %add3A_205 = arith.addf %slice3A_186, %mul3A_204 : vector<8x64xf32>
      %tanh3A_206 = math.tanh %add3A_205 : vector<8x64xf32>
      %mul3A_207 = arith.mulf %logistic3A_196, %add3A_178 : vector<8x64xf32>
      %sub3A_208 = arith.constant 1.000000e+00 : f32
      %sub3A_209 = vector.broadcast %sub3A_208 : f32 to vector<8x64xf32>
      %sub3A_210 = arith.subf %sub3A_209, %logistic3A_196 : vector<8x64xf32>
      %mul3A_211 = arith.mulf %sub3A_210, %tanh3A_206 : vector<8x64xf32>
      %add3A_212 = arith.addf %mul3A_207, %mul3A_211 : vector<8x64xf32>
      %slice3A_213 = vector.extract_strided_slice %get3A_46 {offsets = [40, 0], sizes = [8, 192], strides = [1, 1]} : vector<64x192xf32> to vector<8x192xf32>
      %dot_general3A_214 = arith.constant dense<0.000000e+00> : vector<8x192xf32>
      %dot_general3A_215 = tpu.matmul %add3A_212, %get3A_31, %dot_general3A_214 {dimension_numbers = #tpu.dot_dimension_numbers<[1], [0], [0], [1], [0, 0, 1, 1], [], []>, transpose_lhs_hint = false} : vector<8x64xf32>, vector<64x192xf32>, vector<8x192xf32> -> vector<8x192xf32>
      %add3A_216 = vector.broadcast %get3A_34 : vector<1x192xf32> to vector<8x192xf32>
      %add3A_217 = arith.addf %dot_general3A_215, %add3A_216 : vector<8x192xf32>
      %slice3A_218 = vector.extract_strided_slice %slice3A_213 {offsets = [0, 0], sizes = [8, 64], strides = [1, 1]} : vector<8x192xf32> to vector<8x64xf32>
      %slice3A_219 = vector.extract_strided_slice %slice3A_213 {offsets = [0, 64], sizes = [8, 64], strides = [1, 1]} : vector<8x192xf32> to vector<8x64xf32>
      %slice3A_220 = vector.extract_strided_slice %slice3A_213 {offsets = [0, 128], sizes = [8, 64], strides = [1, 1]} : vector<8x192xf32> to vector<8x64xf32>
      %slice3A_221 = vector.extract_strided_slice %add3A_217 {offsets = [0, 0], sizes = [8, 64], strides = [1, 1]} : vector<8x192xf32> to vector<8x64xf32>
      %slice3A_222 = vector.extract_strided_slice %add3A_217 {offsets = [0, 64], sizes = [8, 64], strides = [1, 1]} : vector<8x192xf32> to vector<8x64xf32>
      %slice3A_223 = vector.extract_strided_slice %add3A_217 {offsets = [0, 128], sizes = [8, 64], strides = [1, 1]} : vector<8x192xf32> to vector<8x64xf32>
      %add3A_224 = arith.addf %slice3A_218, %slice3A_221 : vector<8x64xf32>
      %logistic3A_225 = arith.negf %add3A_224 : vector<8x64xf32>
      %logistic3A_226 = math.exp %logistic3A_225 : vector<8x64xf32>
      %logistic3A_227 = arith.constant 1.000000e+00 : f32
      %logistic3A_228 = vector.broadcast %logistic3A_227 : f32 to vector<8x64xf32>
      %logistic3A_229 = arith.addf %logistic3A_228, %logistic3A_226 : vector<8x64xf32>
      %logistic3A_230 = arith.divf %logistic3A_228, %logistic3A_229 : vector<8x64xf32>
      %add3A_231 = arith.addf %slice3A_219, %slice3A_222 : vector<8x64xf32>
      %logistic3A_232 = arith.negf %add3A_231 : vector<8x64xf32>
      %logistic3A_233 = math.exp %logistic3A_232 : vector<8x64xf32>
      %logistic3A_234 = arith.constant 1.000000e+00 : f32
      %logistic3A_235 = vector.broadcast %logistic3A_234 : f32 to vector<8x64xf32>
      %logistic3A_236 = arith.addf %logistic3A_235, %logistic3A_233 : vector<8x64xf32>
      %logistic3A_237 = arith.divf %logistic3A_235, %logistic3A_236 : vector<8x64xf32>
      %mul3A_238 = arith.mulf %logistic3A_237, %slice3A_223 : vector<8x64xf32>
      %add3A_239 = arith.addf %slice3A_220, %mul3A_238 : vector<8x64xf32>
      %tanh3A_240 = math.tanh %add3A_239 : vector<8x64xf32>
      %mul3A_241 = arith.mulf %logistic3A_230, %add3A_212 : vector<8x64xf32>
      %sub3A_242 = arith.constant 1.000000e+00 : f32
      %sub3A_243 = vector.broadcast %sub3A_242 : f32 to vector<8x64xf32>
      %sub3A_244 = arith.subf %sub3A_243, %logistic3A_230 : vector<8x64xf32>
      %mul3A_245 = arith.mulf %sub3A_244, %tanh3A_240 : vector<8x64xf32>
      %add3A_246 = arith.addf %mul3A_241, %mul3A_245 : vector<8x64xf32>
      %slice3A_247 = vector.extract_strided_slice %get3A_46 {offsets = [48, 0], sizes = [8, 192], strides = [1, 1]} : vector<64x192xf32> to vector<8x192xf32>
      %dot_general3A_248 = arith.constant dense<0.000000e+00> : vector<8x192xf32>
      %dot_general3A_249 = tpu.matmul %add3A_246, %get3A_31, %dot_general3A_248 {dimension_numbers = #tpu.dot_dimension_numbers<[1], [0], [0], [1], [0, 0, 1, 1], [], []>, transpose_lhs_hint = false} : vector<8x64xf32>, vector<64x192xf32>, vector<8x192xf32> -> vector<8x192xf32>
      %add3A_250 = vector.broadcast %get3A_34 : vector<1x192xf32> to vector<8x192xf32>
      %add3A_251 = arith.addf %dot_general3A_249, %add3A_250 : vector<8x192xf32>
      %slice3A_252 = vector.extract_strided_slice %slice3A_247 {offsets = [0, 0], sizes = [8, 64], strides = [1, 1]} : vector<8x192xf32> to vector<8x64xf32>
      %slice3A_253 = vector.extract_strided_slice %slice3A_247 {offsets = [0, 64], sizes = [8, 64], strides = [1, 1]} : vector<8x192xf32> to vector<8x64xf32>
      %slice3A_254 = vector.extract_strided_slice %slice3A_247 {offsets = [0, 128], sizes = [8, 64], strides = [1, 1]} : vector<8x192xf32> to vector<8x64xf32>
      %slice3A_255 = vector.extract_strided_slice %add3A_251 {offsets = [0, 0], sizes = [8, 64], strides = [1, 1]} : vector<8x192xf32> to vector<8x64xf32>
      %slice3A_256 = vector.extract_strided_slice %add3A_251 {offsets = [0, 64], sizes = [8, 64], strides = [1, 1]} : vector<8x192xf32> to vector<8x64xf32>
      %slice3A_257 = vector.extract_strided_slice %add3A_251 {offsets = [0, 128], sizes = [8, 64], strides = [1, 1]} : vector<8x192xf32> to vector<8x64xf32>
      %add3A_258 = arith.addf %slice3A_252, %slice3A_255 : vector<8x64xf32>
      %logistic3A_259 = arith.negf %add3A_258 : vector<8x64xf32>
      %logistic3A_260 = math.exp %logistic3A_259 : vector<8x64xf32>
      %logistic3A_261 = arith.constant 1.000000e+00 : f32
      %logistic3A_262 = vector.broadcast %logistic3A_261 : f32 to vector<8x64xf32>
      %logistic3A_263 = arith.addf %logistic3A_262, %logistic3A_260 : vector<8x64xf32>
      %logistic3A_264 = arith.divf %logistic3A_262, %logistic3A_263 : vector<8x64xf32>
      %add3A_265 = arith.addf %slice3A_253, %slice3A_256 : vector<8x64xf32>
      %logistic3A_266 = arith.negf %add3A_265 : vector<8x64xf32>
      %logistic3A_267 = math.exp %logistic3A_266 : vector<8x64xf32>
      %logistic3A_268 = arith.constant 1.000000e+00 : f32
      %logistic3A_269 = vector.broadcast %logistic3A_268 : f32 to vector<8x64xf32>
      %logistic3A_270 = arith.addf %logistic3A_269, %logistic3A_267 : vector<8x64xf32>
      %logistic3A_271 = arith.divf %logistic3A_269, %logistic3A_270 : vector<8x64xf32>
      %mul3A_272 = arith.mulf %logistic3A_271, %slice3A_257 : vector<8x64xf32>
      %add3A_273 = arith.addf %slice3A_254, %mul3A_272 : vector<8x64xf32>
      %tanh3A_274 = math.tanh %add3A_273 : vector<8x64xf32>
      %mul3A_275 = arith.mulf %logistic3A_264, %add3A_246 : vector<8x64xf32>
      %sub3A_276 = arith.constant 1.000000e+00 : f32
      %sub3A_277 = vector.broadcast %sub3A_276 : f32 to vector<8x64xf32>
      %sub3A_278 = arith.subf %sub3A_277, %logistic3A_264 : vector<8x64xf32>
      %mul3A_279 = arith.mulf %sub3A_278, %tanh3A_274 : vector<8x64xf32>
      %add3A_280 = arith.addf %mul3A_275, %mul3A_279 : vector<8x64xf32>
      %slice3A_281 = vector.extract_strided_slice %get3A_46 {offsets = [56, 0], sizes = [8, 192], strides = [1, 1]} : vector<64x192xf32> to vector<8x192xf32>
      %dot_general3A_282 = arith.constant dense<0.000000e+00> : vector<8x192xf32>
      %dot_general3A_283 = tpu.matmul %add3A_280, %get3A_31, %dot_general3A_282 {dimension_numbers = #tpu.dot_dimension_numbers<[1], [0], [0], [1], [0, 0, 1, 1], [], []>, transpose_lhs_hint = false} : vector<8x64xf32>, vector<64x192xf32>, vector<8x192xf32> -> vector<8x192xf32>
      %add3A_284 = vector.broadcast %get3A_34 : vector<1x192xf32> to vector<8x192xf32>
      %add3A_285 = arith.addf %dot_general3A_283, %add3A_284 : vector<8x192xf32>
      %slice3A_286 = vector.extract_strided_slice %slice3A_281 {offsets = [0, 0], sizes = [8, 64], strides = [1, 1]} : vector<8x192xf32> to vector<8x64xf32>
      %slice3A_287 = vector.extract_strided_slice %slice3A_281 {offsets = [0, 64], sizes = [8, 64], strides = [1, 1]} : vector<8x192xf32> to vector<8x64xf32>
      %slice3A_288 = vector.extract_strided_slice %slice3A_281 {offsets = [0, 128], sizes = [8, 64], strides = [1, 1]} : vector<8x192xf32> to vector<8x64xf32>
      %slice3A_289 = vector.extract_strided_slice %add3A_285 {offsets = [0, 0], sizes = [8, 64], strides = [1, 1]} : vector<8x192xf32> to vector<8x64xf32>
      %slice3A_290 = vector.extract_strided_slice %add3A_285 {offsets = [0, 64], sizes = [8, 64], strides = [1, 1]} : vector<8x192xf32> to vector<8x64xf32>
      %slice3A_291 = vector.extract_strided_slice %add3A_285 {offsets = [0, 128], sizes = [8, 64], strides = [1, 1]} : vector<8x192xf32> to vector<8x64xf32>
      %add3A_292 = arith.addf %slice3A_286, %slice3A_289 : vector<8x64xf32>
      %logistic3A_293 = arith.negf %add3A_292 : vector<8x64xf32>
      %logistic3A_294 = math.exp %logistic3A_293 : vector<8x64xf32>
      %logistic3A_295 = arith.constant 1.000000e+00 : f32
      %logistic3A_296 = vector.broadcast %logistic3A_295 : f32 to vector<8x64xf32>
      %logistic3A_297 = arith.addf %logistic3A_296, %logistic3A_294 : vector<8x64xf32>
      %logistic3A_298 = arith.divf %logistic3A_296, %logistic3A_297 : vector<8x64xf32>
      %add3A_299 = arith.addf %slice3A_287, %slice3A_290 : vector<8x64xf32>
      %logistic3A_300 = arith.negf %add3A_299 : vector<8x64xf32>
      %logistic3A_301 = math.exp %logistic3A_300 : vector<8x64xf32>
      %logistic3A_302 = arith.constant 1.000000e+00 : f32
      %logistic3A_303 = vector.broadcast %logistic3A_302 : f32 to vector<8x64xf32>
      %logistic3A_304 = arith.addf %logistic3A_303, %logistic3A_301 : vector<8x64xf32>
      %logistic3A_305 = arith.divf %logistic3A_303, %logistic3A_304 : vector<8x64xf32>
      %mul3A_306 = arith.mulf %logistic3A_305, %slice3A_291 : vector<8x64xf32>
      %add3A_307 = arith.addf %slice3A_288, %mul3A_306 : vector<8x64xf32>
      %tanh3A_308 = math.tanh %add3A_307 : vector<8x64xf32>
      %mul3A_309 = arith.mulf %logistic3A_298, %add3A_280 : vector<8x64xf32>
      %sub3A_310 = arith.constant 1.000000e+00 : f32
      %sub3A_311 = vector.broadcast %sub3A_310 : f32 to vector<8x64xf32>
      %sub3A_312 = arith.subf %sub3A_311, %logistic3A_298 : vector<8x64xf32>
      %mul3A_313 = arith.mulf %sub3A_312, %tanh3A_308 : vector<8x64xf32>
      %add3A_314 = arith.addf %mul3A_309, %mul3A_313 : vector<8x64xf32>
      %concatenate3A = tpu.concatenate %add3A_76, %add3A_110, %add3A_144, %add3A_178, %add3A_212, %add3A_246, %add3A_280, %add3A_314 in 0 : vector<8x64xf32>, vector<8x64xf32>, vector<8x64xf32>, vector<8x64xf32>, vector<8x64xf32>, vector<8x64xf32>, vector<8x64xf32>, vector<8x64xf32> -> vector<64x64xf32>
      %mul3A_315 = arith.constant 64 : i32
      %mul3A_316 = arith.muli %scan3A_41, %mul3A_315 : i32
      %swap3A_317 = arith.index_cast %mul3A_316 : i32 to index
      %swap3A_318 = arith.constant 0 : index
      %swap3A_319 = vector.load %arg5[%swap3A_317, %swap3A_318] : memref<4096x64xf32, #tpu.memory_space<vmem>>, vector<64x64xf32>
      tpu.vector_store %arg5[%swap3A_317, %swap3A_318], %concatenate3A {strides = array<i32>} : memref<4096x64xf32, #tpu.memory_space<vmem>>, vector<64x64xf32>,
      scf.yield %add3A_314 : vector<8x64xf32>
    }
    %scan3A_40 = arith.constant 64 : i32
    return
  }
}

</mosaic_0001>

<sc_bundles>
// kernel: kernel.5.cloned.1.call-start
scs
__scs_entry_jumppad:
0x0: {  	(pc) =	sbr.rel $0x88, $3  }
0x1: {  	(tag) =	ssettag $0x0;
	lr =	simm.s32 $0x1  }
0x2: {  	[smem:$0x3F9A] =	sst lr;
	_ =	strace $0xD0000000  }
0x3: {  	_ = 	snop  }
0x4: {  	_ = 	snop  }
0x5: {  	_ = 	snop  }
0x6: {  	_ = 	snop  }
0x7: {  	_ = 	snop  }
__scs_overlays_trampoline_lowered:
0x8: {  	[smem:$0x3FA9] =	sst s0  }
0x9: {  	[smem:$0x3FAA] =	sst s1  }
0xa: {  	[smem:$0x3FAB] =	sst s2  }
0xb: {  	[smem:$0x3FAC] =	sst s3  }
0xc: {  	[smem:$0x3FAD] =	sst s4  }
0xd: {  	[smem:$0x3FAE] =	sst s5  }
0xe: {  	[smem:$0x3FAF] =	sst s6  }
0xf: {  	[smem:$0x3FB0] =	sst s7  }
0x10: {  	[smem:$0x3FB1] =	sst s8  }
0x11: {  	[smem:$0x3FB2] =	sst s9;
	s0 =	simm.s32 @!p0 $0x0  }
0x12: {  	s1 =	sld [smem:$0x3F98];
	s0 =	simm.s32 @p0 $0x1  }
0x13: {  	[smem:$0x3FB3] =	sst s0;
	s0 =	simm.s32 @!p1 $0x0  }
0x14: {  	s2 =	sld [smem:$0x3F97];
	s0 =	simm.s32 @p1 $0x1  }
0x15: {  	[smem:$0x3FB4] =	sst s0;
	s0 =	simm.s32 @!p2 $0x0  }
0x16: {  	s3 =	sld [smem:$0x3FDB];
	s0 =	simm.s32 @p2 $0x1  }
0x17: {  	s4 =	simm.s32 $0x1BF5;
	[smem:$0x3FB6] =	sst s0  }
0x18: {  	s0 =	sld [smem:$0x3F99];
	_ =	swait.ge [sflag:s4], $0x0  }
0x19: {  	s7 =	sld [smem:$0x3F9A]  }
0x1a: {  	s8 =	sadd.s32 $0xFFFFE003, lr  }
0x1b: {  	s9 =	sadd.s32 $0xFFFFFEF7, lr;
	s5 =	simm.s32 $0xFFFFFFFF;
	p2 =	slt.u32 s8, $0xFFFFF086  }
0x1c: {  	p1 =	slt.u32 s9, $0xF7A;
	s5 =	simm.s32 @!p2 $0x0  }
0x1d: {  	s5 =	simm.s32 @p1 $0x1;
	p0 =	seq.s32 s7, s2  }
0x1e: {  	s7 =	smul.u32 @!p0 $0xF7A, s2;
	p2 =	seq.s32 @!p0 s5, $0x0  }
0x1f: {  	s9 =	smul.u32 $0xF7A, s1;
	s8 =	simm.s32 @!p0 $0x1BF5;
	p2 =	por !p2, p0  }
0x20: {  	[sflag:s8] =	ssyncset.s32 @!p0 $0xFFFFF086;
	s6 =	sadd.s32 @!p0 s3, s7;
	s7 =	simm.s32 @!p0 $0x108  }
0x21: {  	s3 =	sadd.s32 s3, s9;
	s6 =	sadd.s32 @!p0 $0x88, s6;
	s7 =	simm.s32 @p2 $0x1082  }
0x22: {  	[simem:s7], [sflag:s8] =	dma.local @!p0 [hbm:s6], $0xF7A  }
0x23: {  	s9 =	sor.u32 $0xD0000000, s2;
	s6 =	simm.s32 $0x108;
	_ =	swait.ge @!p0 [sflag:s8], $0x0  }
0x24: {  	s3 =	sadd.s32 $0x88, s3;
	s6 =	simm.s32 @!p1 $0x1082;
	[sflag:s4] =	ssyncset.s32 $0xFFFFF086  }
0x25: {  	[simem:s6], [sflag:s4] =	dma.local [hbm:s3], $0xF7A  }
0x26: {  	[smem:$0x3F9A] =	sst s1;
	(tag) =	ssettag s2;
	_ =	strace s9  }
0x27: {  	s1 =	sld [smem:$0x3FAA]  }
0x28: {  	s2 =	sld [smem:$0x3FAB]  }
0x29: {  	s4 =	sld [smem:$0x3FAD]  }
0x2a: {  	p0 =	seq.s32 s5, $0x0;
	s5 =	sld [smem:$0x3FAE]  }
0x2b: {  	s6 =	sld [smem:$0x3FAF]  }
0x2c: {  	s7 =	sld [smem:$0x3FB0]  }
0x2d: {  	s3 =	simm.s32 $0x108;
	s8 =	sld [smem:$0x3FB1]  }
0x2e: {  	s3 =	simm.s32 @!p0 $0x1082;
	s9 =	sld [smem:$0x3FB2]  }
0x2f: {  	lr =	sadd.s32 s0, s3;
	s0 =	sld [smem:$0x3FA9]  }
0x30: {  	s3 =	sld [smem:$0x3FAC]  }
0x31: {  	[smem:$0x3FB5] =	sst s10  }
0x32: {  	s10 =	sld [smem:$0x3FB3];
	_ =	sdelay $0x3  }
0x33: {  	p0 =	seq.s32 s10, $0x1;
	s10 =	sld [smem:$0x3FB5];
	_ =	sdelay $0x3  }
0x34: {  	[smem:$0x3FB5] =	sst s10  }
0x35: {  	s10 =	sld [smem:$0x3FB4];
	_ =	sdelay $0x3  }
0x36: {  	p1 =	seq.s32 s10, $0x1;
	s10 =	sld [smem:$0x3FB5];
	_ =	sdelay $0x3  }
0x37: {  	[smem:$0x3FB5] =	sst s10  }
0x38: {  	s10 =	sld [smem:$0x3FB6]  }
0x39: {  	_ = 	snop;
	(pc) =	sbr.ind lr, $3  }
0x3a: {  	_ = 	snop  }
0x3b: {  	_ = 	snop  }
0x3c: {  	p2 =	seq.s32 s10, $0x1;
	s10 =	sld [smem:$0x3FB5]  }
0x3d: {  	_ =	shalt  }
0x3e: {  	_ =	shalt  }
0x3f: {  	_ =	shalt  }
0x40: {  	_ =	shalt  }
0x41: {  	_ =	shalt  }
0x42: {  	_ =	shalt  }
0x43: {  	_ =	shalt  }
0x44: {  	_ =	shalt  }
0x45: {  	_ =	shalt  }
0x46: {  	_ =	shalt  }
0x47: {  	_ =	shalt  }
0x48: {  	_ =	shalt  }
0x49: {  	_ =	shalt  }
0x4a: {  	_ =	shalt  }
0x4b: {  	_ =	shalt  }
0x4c: {  	_ =	shalt  }
0x4d: {  	_ =	shalt  }
0x4e: {  	_ =	shalt  }
0x4f: {  	_ =	shalt  }
0x50: {  	_ =	shalt  }
0x51: {  	_ =	shalt  }
0x52: {  	_ =	shalt  }
0x53: {  	_ =	shalt  }
0x54: {  	_ =	shalt  }
0x55: {  	_ =	shalt  }
0x56: {  	_ =	shalt  }
0x57: {  	_ =	shalt  }
0x58: {  	_ =	shalt  }
0x59: {  	_ =	shalt  }
0x5a: {  	_ =	shalt  }
0x5b: {  	_ =	shalt  }
0x5c: {  	_ =	shalt  }
0x5d: {  	_ =	shalt  }
0x5e: {  	_ =	shalt  }
0x5f: {  	_ =	shalt  }
0x60: {  	_ =	shalt  }
0x61: {  	_ =	shalt  }
0x62: {  	_ =	shalt  }
0x63: {  	_ =	shalt  }
0x64: {  	_ =	shalt  }
0x65: {  	_ =	shalt  }
0x66: {  	_ =	shalt  }
0x67: {  	_ =	shalt  }
0x68: {  	_ =	shalt  }
0x69: {  	_ =	shalt  }
0x6a: {  	_ =	shalt  }
0x6b: {  	_ =	shalt  }
0x6c: {  	_ =	shalt  }
0x6d: {  	_ =	shalt  }
0x6e: {  	_ =	shalt  }
0x6f: {  	_ =	shalt  }
0x70: {  	_ =	shalt  }
0x71: {  	_ =	shalt  }
0x72: {  	_ =	shalt  }
0x73: {  	_ =	shalt  }
0x74: {  	_ =	shalt  }
0x75: {  	_ =	shalt  }
0x76: {  	_ =	shalt  }
0x77: {  	_ =	shalt  }
0x78: {  	_ =	shalt  }
0x79: {  	_ =	shalt  }
0x7a: {  	_ =	shalt  }
0x7b: {  	_ =	shalt  }
0x7c: {  	_ =	shalt  }
0x7d: {  	_ =	shalt  }
0x7e: {  	_ =	shalt  }
0x7f: {  	_ =	shalt  }
0x80: {  	_ =	shalt  }
0x81: {  	_ =	shalt  }
0x82: {  	_ =	shalt  }
0x83: {  	_ =	shalt  }
0x84: {  	_ =	shalt  }
0x85: {  	_ =	shalt  }
0x86: {  	_ =	shalt  }
0x87: {  	_ =	shalt  }
.Lfunc_end0:
.L_simem_size_0:
called_computation_lowered:
.L_overlay_start_0:
0x88: {  	s2 =	sld [smem:$0x3FD9]  }
0x89: {  	s3 =	sld [smem:$0x3FFE];
	_ =	sdelay $0x1  }
0x8a: {  	s1 =	srdreg.scid  }
0x8b: {  	s0 =	sand.u32 $0x1, s1  }
0x8c: {  	s17 =	sshll.u32 s0, $0xA;
	s2 =	sadd.s32 s3, s2  }
0x8d: {  	s2 =	sadd.s32 s2, s17  }
0x8e: {  	[smem:$0x3FC1] =	sst s2  }
0x8f: {  	_ = 	snop  }
0x90: {  	s2 =	sld [smem:$0x3FD0];
	(tm) =	ssettm $0x1  }
0x91: {  	s18 =	sld [smem:$0x3FFB];
	_ =	sdelay $0x3  }
0x92: {  	_ =	strace s18  }
0x93: {  	s3 =	sld [smem:$0x3FFC];
	_ =	sdelay $0x3  }
0x94: {  	_ =	strace s3  }
0x95: {  	s3 =	sld [smem:$0x3FFD];
	_ =	sdelay $0x3  }
0x96: {  	_ =	strace s3  }
0x97: {  	_ =	strace $0x8FFFFFFF  }
0x98: {  	s19 =	sld [smem:$0x3FDB];
	_ =	sdelay $0x1  }
0x99: {  	s4 =	simm.s32 $_scs_section_size  }
0x9a: {  	s5 =	simm.s32 $_size__tile_overlayer_lowered;
	s6 =	simm.s32 $_tile_overlayer_lowered  }
0x9b: {  	s22 =	simm.s32 $0x1BFF;
	s21 =	sshll.u32 s6, $0x1;
	s3 =	sadd.s32 s4, s19  }
0x9c: {  	s7 =	simm.s32 $0x0;
	s20 =	sshll.u32 s5, $0x1;
	s5 =	sadd.s32 s21, s3  }
0x9d: {  	[timem:s7], [sflag:s22] =	dma.local [hbm:s5], s20  }
0x9e: {  	_ =	swait.ge [sflag:s22], s20  }
0x9f: {  	s4 =	ssub.s32 $0x0, s20;
	[sflag:s22] =	ssyncset.done $0x0  }
0xa0: {  	[sflag:s22] =	ssyncadd.s32 s4;
	_ =	sdelay $0x1  }
0xa1: {  	s23 =	simm.s32 $0x1B8B  }
0xa2: {  	_ =	swait.ge [sflag:s23], $0x1  }
0xa3: {  	[sflag:s23] =	ssyncset.done $0x0  }
0xa4: {  	s25 =	simm.s32 $0x1B8E;
	s24 =	sld [smem:$0x3FFE];
	[sflag:s23] =	ssyncadd.s32 $0xFFFFFFFF  }
0xa5: {  	s26 =	simm.s32 $execute0_lowered;
	[smem:$0x3FD2] =	sst s25  }
0xa6: {  	s5 =	sshll.u32 s26, $0x1;
	_ =	strace $0x80000046;
	[dreg:$0x1] =	wrdreg $0xFFFFFFFF  }
0xa7: {  	s28 =	simm.s32 $_size_execute0_lowered;
	s3 =	sadd.s32 s3, s5;
	[dreg:$0x0] =	wrdreg $0x0  }
0xa8: {  	s5 =	sshll.u32 s28, $0x1;
	[dreg:$0x2] =	wrdreg s3  }
0xa9: {  	[dreg:$0x3] =	wrdreg s5  }
0xaa: {  	[dreg:$0x4] =	wrdreg $0xC0  }
0xab: {  	_ =	task [dreg:s7], $0x5FFFF  }
0xac: {  	[dreg:$0x1] =	wrdreg $0xFFFFFFFF  }
0xad: {  	[dreg:$0x0] =	wrdreg $0x60  }
0xae: {  	[dreg:$0x2] =	wrdreg s24  }
0xaf: {  	[dreg:$0x3] =	wrdreg s2  }
0xb0: {  	[dreg:$0x4] =	wrdreg $0x10E000  }
0xb1: {  	[dreg:$0x5] =	wrdreg $0x9  }
0xb2: {  	_ =	task.clear_ibuf [dreg:s7], $0x6FFFF;
	_ =	strace $0x90000046  }
0xb3: {  	s29 =	simm.s32 $0x9;
	_ =	strace $0x80000048  }
0xb4: {  	_ =	swait.ge [sflag:s29], $0x1  }
0xb5: {  	[sflag:s29] =	ssyncadd.s32 $0xFFFFFFFF  }
0xb6: {  	_ =	strace $0x90000048  }
0xb7: {  	_ =	sfence  }
0xb8: {  	s30 =	sld [smem:$0x0];
	_ =	sdelay $0x2  }
0xb9: {  	s31 =	sshll.u32 s1, $0xD;
	s1 =	sshrl.u32 s1, $0x2  }
0xba: {  	s3 =	sand.u32 $0x4000, s31;
	s1 =	sadd.s32 s1, s30  }
0xbb: {  	s0 =	sor.u32 s3, s0;
	s1 =	sshll.u32 s1, $0x11  }
0xbc: {  	s0 =	sor.u32 s1, s0  }
0xbd: {  	s0 =	sadd.s32 $0x8F2B, s0  }
0xbe: {  	[sflag:s0] =	ssyncadd.remote.s32 $0x1  }
0xbf: {  	_ =	sfence.sel $0xFFFF  }
0xc0: {  	[dreg:$0x0] =	wrdreg $0xFFFFFFFF;
	(pc) =	sbr.abs _section_cstart, $3  }
0xc1: {  	[dreg:$0x1] =	wrdreg $0xFFFFFFFF  }
0xc2: {  	_ =	task.clear_ibuf [dreg:s7], $0x2FFFF;
	_ =	strace $0x9FFFFFFF  }
0xc3: {  	(tm) =	ssettm $0x7FFFFFFF  }
tec
execute0_lowered:
.L_overlay_start_1:
0x0: {  	(tag) =	ssettag $0x1  }
0x1: {  	s6 =	rddreg [dreg:$0x0]  }
0x2: {  	s2 =	rddreg [dreg:$0x1]  }
0x3: {  	s3 =	rddreg [dreg:$0x2]  }
0x4: {  	s4 =	srdreg.scid;
	s0 =	rddreg [dreg:$0x3]  }
0x5: {  	s1 =	stileid.u32;
	s13 =	simm.s32 $0x400;
	s14 =	simm.s32 $0xE00  }
0x6: {  	s17 =	simm.s32 $0x80;
	s18 =	simm.s32 $0x280;
	s19 =	simm.s32 $0x4E00  }
0x7: {  	s20 =	simm.s32 $0x300;
	s21 =	simm.s32 $0x8E00;
	s22 =	simm.s32 $0x380  }
0x8: {  	s23 =	simm.s32 $0xCE00;
	s24 =	simm.s32 $0x0;
	s8 =	sand.u32 $0x1, s4  }
0x9: {  	s4 =	simm.s32 $0x0;
	s7 =	sshll.u32 s1, $0x9;
	s11 =	sshll.u32 s1, $0xC  }
0xa: {  	s31 =	sshll.u32 s1, $0xF;
	s15 =	sshll.u32 s1, $0x6;
	s5 =	sshll.u32 s8, $0xD  }
0xb: {  	[smem:$0x7FF] =	sst s4;
	s10 =	ssub.s32 $0x2, s8;
	s11 =	sadd.s32 s11, s6  }
0xc: {  	s30 =	sshll.u32 s8, $0x10;
	s16 =	sadd.s32 s31, s3;
	s15 =	sor.u32 $0x1C01, s15  }
0xd: {  	s7 =	sor.u32 s7, s5;
	_ =	strace $0x80000047;
	s12 =	sshrl.u32 s10, $0x1  }
0xe: {  	s11 =	sadd.s32 s30, s11;
	s16 =	sshrl.u32 s16, $0x3;
	s5 =	sshll.u32 s7, $0x4  }
0xf: {  	s7 =	sshrl.u32 s7, $0x3;
	s10 =	ssub.s32 s10, s12;
	s12 =	simm.s32 $0x200  }
0x10: {  	s9 =	sadd.s32 s5, s6;
	s5 =	sadd.s32 $0x41A00, s6;
	s7 =	sadd.s32 s7, s6  }
0x11: {  	s10 =	smax.u32 s10, $0x1;
	s6 =	sadd.s32 $0x40A00, s7;
	s7 =	sadd.s32 $0x41200, s7  }
0x12: {  	s8 =	sadd.s32 $0xA00, s9;
	s9 =	sadd.s32 $0x41C00, s11;
	s11 =	simm.s32 $0x1  }
.LBB2_1:
0x13: {  	[tilespmem:s4], [sflag:$0x1] =	stream.linear.gather [hbm4b:s6+s4], $0x200, $0x38;
	[tilespmem:$0x18E00] =	vst v63  }
0x14: {  	_ =	swait.ge [sflag:s11], $0x200  }
0x15: {  	[sflag:s11] =	ssyncset.done $0x0  }
0x16: {  	[sflag:s11] =	ssyncadd.s32 $0xFFFFFE00  }
0x17: {  	[tilespmem:s12], [sflag:$0x1] =	stream.linear.gather [hbm4b:s7+s4], $0x200, $0x38;
	[tilespmem:$0x18E00] =	vst v63  }
0x18: {  	_ =	swait.ge [sflag:s11], $0x200  }
0x19: {  	[sflag:s11] =	ssyncset.done $0x0  }
0x1a: {  	[sflag:s11] =	ssyncadd.s32 $0xFFFFFE00  }
0x1b: {  	[tilespmem:s13], [sflag:$0x1] =	stream.linear.gather [hbm4b:s5+s4], $0x800, $0x38;
	[tilespmem:$0x18E00] =	vst v63  }
0x1c: {  	_ =	swait.ge [sflag:s11], $0x800  }
0x1d: {  	[sflag:s11] =	ssyncset.done $0x0  }
0x1e: {  	[sflag:s11] =	ssyncadd.s32 $0xFFFFF800  }
0x1f: {  	[tilespmem:s14], [sflag:$0x1] =	stream.linear.gather [hbm4b:s8+s4], $0x10000, $0x38;
	[tilespmem:$0x18E00] =	vst v63  }
0x20: {  	_ =	swait.ge [sflag:s11], $0x10000  }
0x21: {  	[sflag:s11] =	ssyncset.done $0x0  }
0x22: {  	[sflag:s11] =	ssyncadd.s32 $0xFFFF0000  }
0x23: {  	[spmem:s16], [sflag:s15] =	dma.local [hbm:s2], $0x1000  }
0x24: {  	_ =	swait.ge [sflag:s11], $0x1000  }
0x25: {  	[sflag:s11] =	ssyncset.done $0x0  }
0x26: {  	s25 =	simm.s32 $0x0;
	[sflag:s11] =	ssyncadd.s32 $0xFFFFF000  }
0x27: {  	v0 =	vld [tilespmem:s25+$0x0];
	_ =	sdelay $0x7  }
0x28: {  	s26 =	simm.s32 $0x10;
	s28 =	simm.s32 $0x80;
	v0 =	vld.idx.msk [tilespmem:v0+s13+$0x0], $0xffff  }
.LBB2_2:
0x29: {  	p0 =	sne.s32 s28, $0x7C0;
	v1 =	vld [tilespmem:s26+$0x0];
	_ =	sdelay $0x3  }
.Ltmp0:
0x2a: {  	(pc) =	sbr.rel @p0 .LBB2_2-.Ltmp0, $2  }
0x2b: {  	[tilespmem:s25+$0xC00] =	vst v0;
	s25 =	smov.u32 s26;
	_ =	sdelay $0x2  }
0x2c: {  	s26 =	sshra.s32 s28, $0x2;
	s28 =	sadd.s32 $0x40, s28;
	v0 =	vld.idx.msk [tilespmem:v1+s13+$0x0], $0xffff  }
0x2d: {  	v1 =	vld [tilespmem:s26+$0x0];
	_ =	sdelay $0x6  }
0x2e: {  	[tilespmem:s25+$0xC00] =	vst v0  }
0x2f: {  	v0 =	vld.idx.msk [tilespmem:v1+s13+$0x0], $0xffff;
	_ =	sdelay $0x4  }
0x30: {  	s25 =	simm.s32 $0x0;
	[tilespmem:s26+$0xC00] =	vst v0;
	s26 =	simm.s32 $0x1200  }
.LBB2_4:
0x31: {  	s28 =	sshra.s32 s25, $0x2  }
0x32: {  	v0 =	vld [tilespmem:s28+$0xC00];
	_ =	sdelay $0x1  }
0x33: {  	v1 =	vld [tilespmem:s26+$0xFFFFFC00]  }
0x34: {  	v2 =	vld [tilespmem:s26+$0xFFFFFC80]  }
0x35: {  	v3 =	vld [tilespmem:s26+$0xFFFFFD00]  }
0x36: {  	v5 =	vld [tilespmem:s26+$0xFFFFFD80];
	v4 =	vbroadcast v0, $0x0  }
0x37: {  	v7 =	vld [tilespmem:s26+$0xFFFFFE00];
	v6 =	vbroadcast v0, $0x1  }
0x38: {  	v9 =	vld [tilespmem:s26+$0xFFFFFE80];
	v8 =	vbroadcast v0, $0x2;
	v1 =	vmul.f32 v4, v1  }
0x39: {  	v11 =	vld [tilespmem:s26+$0xFFFFFF00];
	v10 =	vbroadcast v0, $0x3;
	v2 =	vmul.f32 v2, v6  }
0x3a: {  	v12 =	vld [tilespmem:s26+$0xFFFFFF80];
	v33 =	vbroadcast v0, $0x4;
	v32 =	vmul.f32 v3, v8;
	[tilespmem:s26+$0xFFFFFC00] =	vst v1  }
0x3b: {  	v13 =	vld [tilespmem:s26+$0xFFFFFC10];
	v35 =	vbroadcast v0, $0x5;
	v34 =	vmul.f32 v5, v10;
	[tilespmem:s26+$0xFFFFFC80] =	vst v2  }
0x3c: {  	v14 =	vld [tilespmem:s26+$0xFFFFFC90];
	v37 =	vbroadcast v0, $0x6;
	v36 =	vmul.f32 v7, v33;
	[tilespmem:s26+$0xFFFFFD00] =	vst v32  }
0x3d: {  	v15 =	vld [tilespmem:s26+$0xFFFFFD10];
	v39 =	vbroadcast v0, $0x7;
	v38 =	vmul.f32 v9, v35;
	[tilespmem:s26+$0xFFFFFD80] =	vst v34  }
0x3e: {  	v45 =	vld [tilespmem:s26+$0xFFFFFF90];
	v11 =	vmul.f32 v11, v37;
	[tilespmem:s26+$0xFFFFFE00] =	vst v36  }
0x3f: {  	v57 =	vld [tilespmem:s26+$0xFFFFFDB0];
	v12 =	vmul.f32 v12, v39;
	[tilespmem:s26+$0xFFFFFE80] =	vst v38  }
0x40: {  	v60 =	vld [tilespmem:s26+$0xFFFFFF30];
	v13 =	vmul.f32 v13, v4;
	[tilespmem:s26+$0xFFFFFF00] =	vst v11  }
0x41: {  	v61 =	vld [tilespmem:s26+$0xFFFFFFB0];
	v14 =	vmul.f32 v14, v6;
	[tilespmem:s26+$0xFFFFFF80] =	vst v12  }
0x42: {  	v63 =	vld [tilespmem:s26+$0x0];
	v44 =	vmul.f32 v15, v8;
	[tilespmem:s26+$0xFFFFFC10] =	vst v13  }
0x43: {  	v40 =	vld [tilespmem:s26+$0xFFFFFD90];
	v15 =	vmul.f32 v45, v39;
	[tilespmem:s26+$0xFFFFFC90] =	vst v14  }
0x44: {  	v41 =	vld [tilespmem:s26+$0xFFFFFE10];
	v62 =	vmul.f32 v57, v10;
	[tilespmem:s26+$0xFFFFFD10] =	vst v44  }
0x45: {  	v42 =	vld [tilespmem:s26+$0xFFFFFE90];
	v17 =	vbroadcast v0, $0x8;
	v16 =	vmul.f32 v60, v37;
	[tilespmem:s26+$0xFFFFFF90] =	vst v15  }
0x46: {  	v43 =	vld [tilespmem:s26+$0xFFFFFF10];
	v19 =	vmul.f32 v61, v39;
	[tilespmem:s26+$0xFFFFFDB0] =	vst v62  }
0x47: {  	v46 =	vld [tilespmem:s26+$0xFFFFFC20];
	v22 =	vmul.f32 v63, v17;
	[tilespmem:s26+$0xFFFFFF30] =	vst v16  }
0x48: {  	v47 =	vld [tilespmem:s26+$0xFFFFFCA0];
	v1 =	vmul.f32 v40, v10;
	[tilespmem:s26+$0xFFFFFFB0] =	vst v19  }
0x49: {  	v52 =	vld [tilespmem:s26+$0xFFFFFF20];
	v2 =	vmul.f32 v41, v33;
	[tilespmem:s26+$0x0] =	vst v22  }
0x4a: {  	v54 =	vld [tilespmem:s26+$0xFFFFFC30];
	v11 =	vmul.f32 v42, v35;
	[tilespmem:s26+$0xFFFFFD90] =	vst v1  }
0x4b: {  	v18 =	vld [tilespmem:s26+$0x180];
	v12 =	vmul.f32 v43, v37;
	[tilespmem:s26+$0xFFFFFE10] =	vst v2  }
0x4c: {  	v48 =	vld [tilespmem:s26+$0xFFFFFD20];
	v14 =	vmul.f32 v46, v4;
	[tilespmem:s26+$0xFFFFFE90] =	vst v11  }
0x4d: {  	v49 =	vld [tilespmem:s26+$0xFFFFFDA0];
	v13 =	vmul.f32 v47, v6;
	[tilespmem:s26+$0xFFFFFF10] =	vst v12  }
0x4e: {  	v50 =	vld [tilespmem:s26+$0xFFFFFE20];
	v26 =	vbroadcast v0, $0xB;
	v15 =	vmul.f32 v52, v37;
	[tilespmem:s26+$0xFFFFFC20] =	vst v14  }
0x4f: {  	v51 =	vld [tilespmem:s26+$0xFFFFFEA0];
	v4 =	vmul.f32 v54, v4;
	[tilespmem:s26+$0xFFFFFCA0] =	vst v13  }
0x50: {  	v53 =	vld [tilespmem:s26+$0xFFFFFFA0];
	v32 =	vmul.f32 v18, v26;
	[tilespmem:s26+$0xFFFFFF20] =	vst v15  }
0x51: {  	v31 =	vld [tilespmem:s26+$0x10];
	v1 =	vmul.f32 v48, v8;
	[tilespmem:s26+$0xFFFFFC30] =	vst v4  }
0x52: {  	v57 =	vld [tilespmem:s26+$0x330];
	v2 =	vmul.f32 v49, v10;
	[tilespmem:s26+$0x180] =	vst v32  }
0x53: {  	v55 =	vld [tilespmem:s26+$0xFFFFFCB0];
	v11 =	vmul.f32 v50, v33;
	[tilespmem:s26+$0xFFFFFD20] =	vst v1  }
0x54: {  	v56 =	vld [tilespmem:s26+$0xFFFFFD30];
	v12 =	vmul.f32 v51, v35;
	[tilespmem:s26+$0xFFFFFDA0] =	vst v2  }
0x55: {  	v58 =	vld [tilespmem:s26+$0xFFFFFE30];
	v36 =	vbroadcast v0, $0xE;
	v14 =	vmul.f32 v53, v39;
	[tilespmem:s26+$0xFFFFFE20] =	vst v11  }
0x56: {  	v59 =	vld [tilespmem:s26+$0xFFFFFEB0];
	v13 =	vmul.f32 v31, v17;
	[tilespmem:s26+$0xFFFFFEA0] =	vst v12  }
0x57: {  	v21 =	vld [tilespmem:s26+$0x200];
	v63 =	vmul.f32 v57, v36;
	[tilespmem:s26+$0xFFFFFFA0] =	vst v14  }
0x58: {  	v54 =	vld [tilespmem:s26+$0x1B0];
	v1 =	vmul.f32 v55, v6;
	[tilespmem:s26+$0x10] =	vst v13  }
0x59: {  	v24 =	vld [tilespmem:s26+$0x280];
	v2 =	vmul.f32 v56, v8;
	[tilespmem:s26+$0x330] =	vst v63  }
0x5a: {  	v27 =	vld [tilespmem:s26+$0x300];
	v29 =	vbroadcast v0, $0xC;
	v11 =	vmul.f32 v58, v33;
	[tilespmem:s26+$0xFFFFFCB0] =	vst v1  }
0x5b: {  	v34 =	vld [tilespmem:s26+$0x90];
	v14 =	vmul.f32 v59, v35;
	[tilespmem:s26+$0xFFFFFD30] =	vst v2  }
0x5c: {  	v37 =	vld [tilespmem:s26+$0x110];
	v33 =	vbroadcast v0, $0xD;
	v35 =	vmul.f32 v21, v29;
	[tilespmem:s26+$0xFFFFFE30] =	vst v11  }
0x5d: {  	v38 =	vld [tilespmem:s26+$0x190];
	v60 =	vmul.f32 v54, v26;
	[tilespmem:s26+$0xFFFFFEB0] =	vst v14  }
0x5e: {  	v20 =	vbroadcast v0, $0x9;
	v42 =	vld [tilespmem:s26+$0x390];
	v10 =	vmul.f32 v24, v33;
	[tilespmem:s26+$0x200] =	vst v35  }
0x5f: {  	v23 =	vbroadcast v0, $0xA;
	v15 =	vld [tilespmem:s26+$0x100];
	v11 =	vmul.f32 v27, v36;
	[tilespmem:s26+$0x1B0] =	vst v60  }
0x60: {  	v53 =	vld [tilespmem:s26+$0x130];
	v14 =	vmul.f32 v34, v20;
	[tilespmem:s26+$0x280] =	vst v10  }
0x61: {  	v39 =	vld [tilespmem:s26+$0x210];
	v0 =	vbroadcast v0, $0xF;
	v1 =	vmul.f32 v37, v23;
	[tilespmem:s26+$0x300] =	vst v11  }
0x62: {  	v40 =	vld [tilespmem:s26+$0x290];
	v2 =	vmul.f32 v38, v26;
	[tilespmem:s26+$0x90] =	vst v14  }
0x63: {  	v43 =	vld [tilespmem:s26+$0x20];
	v13 =	vmul.f32 v42, v0;
	[tilespmem:s26+$0x110] =	vst v1  }
0x64: {  	v44 =	vld [tilespmem:s26+$0xA0];
	v28 =	vmul.f32 v15, v23;
	[tilespmem:s26+$0x190] =	vst v2  }
0x65: {  	v45 =	vld [tilespmem:s26+$0x120];
	v58 =	vmul.f32 v53, v23;
	[tilespmem:s26+$0x390] =	vst v13  }
0x66: {  	v49 =	vld [tilespmem:s26+$0x320];
	v10 =	vmul.f32 v39, v29;
	[tilespmem:s26+$0x100] =	vst v28  }
0x67: {  	v12 =	vld [tilespmem:s26+$0x80];
	v11 =	vmul.f32 v40, v33;
	[tilespmem:s26+$0x130] =	vst v58  }
0x68: {  	v30 =	vld [tilespmem:s26+$0x380];
	v14 =	vmul.f32 v43, v17;
	[tilespmem:s26+$0x210] =	vst v10  }
0x69: {  	v55 =	vld [tilespmem:s26+$0x230];
	v1 =	vmul.f32 v44, v20;
	[tilespmem:s26+$0x290] =	vst v11  }
0x6a: {  	v56 =	vld [tilespmem:s26+$0x2B0];
	v2 =	vmul.f32 v45, v23;
	[tilespmem:s26+$0x20] =	vst v14  }
0x6b: {  	v46 =	vld [tilespmem:s26+$0x1A0];
	v13 =	vmul.f32 v49, v36;
	[tilespmem:s26+$0xA0] =	vst v1  }
0x6c: {  	v47 =	vld [tilespmem:s26+$0x220];
	v25 =	vmul.f32 v12, v20;
	[tilespmem:s26+$0x120] =	vst v2  }
0x6d: {  	v50 =	vld [tilespmem:s26+$0x3A0];
	v12 =	vmul.f32 v30, v0;
	[tilespmem:s26+$0x320] =	vst v13  }
0x6e: {  	v51 =	vld [tilespmem:s26+$0x30];
	v61 =	vmul.f32 v55, v29;
	[tilespmem:s26+$0x80] =	vst v25  }
0x6f: {  	v52 =	vld [tilespmem:s26+$0xB0];
	v62 =	vmul.f32 v56, v33;
	[tilespmem:s26+$0x380] =	vst v12  }
0x70: {  	v41 =	vld [tilespmem:s26+$0x310];
	v10 =	vmul.f32 v46, v26;
	[tilespmem:s26+$0x230] =	vst v61  }
0x71: {  	v59 =	vld [tilespmem:s26+$0x3B0];
	v11 =	vmul.f32 v47, v29;
	[tilespmem:s26+$0x2B0] =	vst v62  }
0x72: {  	v48 =	vld [tilespmem:s26+$0x2A0];
	v14 =	vmul.f32 v50, v0;
	[tilespmem:s26+$0x1A0] =	vst v10  }
0x73: {  	v1 =	vmul.f32 v51, v17;
	[tilespmem:s26+$0x220] =	vst v11  }
0x74: {  	p0 =	sne.s32 s25, $0x7C0;
	v2 =	vmul.f32 v52, v20;
	[tilespmem:s26+$0x3A0] =	vst v14  }
.Ltmp1:
0x75: {  	v12 =	vmul.f32 v41, v36;
	[tilespmem:s26+$0x30] =	vst v1;
	(pc) =	sbr.rel @p0 .LBB2_4-.Ltmp1, $4  }
0x76: {  	v0 =	vmul.f32 v59, v0;
	[tilespmem:s26+$0xB0] =	vst v2  }
0x77: {  	[tilespmem:s26+$0x310] =	vst v12;
	v12 =	vmul.f32 v48, v33  }
0x78: {  	[tilespmem:s26+$0x3B0] =	vst v0  }
0x79: {  	s25 =	sadd.s32 $0x40, s25;
	[tilespmem:s26+$0x2A0] =	vst v12;
	s26 =	sadd.s32 $0x800, s26  }
0x7a: {  	[bflag:$0x0] =	sbarrier.arrive $0xFFFF  }
0x7b: {  	[spmem:s3] =	stream.indirect.scatter.add.f32 [tilespmem:s14], [sflag:$0x1], $0x80, s12, s17, $0xb8;
	[tilespmem:$0x18E00] =	vst v63  }
0x7c: {  	_ =	swait.ge [sflag:s11], $0x4000  }
0x7d: {  	[sflag:s11] =	ssyncset.done $0x0  }
0x7e: {  	[sflag:s11] =	ssyncadd.s32 $0xFFFFC000  }
0x7f: {  	[spmem:s3] =	stream.indirect.scatter.add.f32 [tilespmem:s19], [sflag:$0x1], $0x80, s18, s17, $0xb8;
	[tilespmem:$0x18E00] =	vst v63  }
0x80: {  	_ =	swait.ge [sflag:s11], $0x4000  }
0x81: {  	[sflag:s11] =	ssyncset.done $0x0  }
0x82: {  	[sflag:s11] =	ssyncadd.s32 $0xFFFFC000  }
0x83: {  	[spmem:s3] =	stream.indirect.scatter.add.f32 [tilespmem:s21], [sflag:$0x1], $0x80, s20, s17, $0xb8;
	[tilespmem:$0x18E00] =	vst v63  }
0x84: {  	_ =	swait.ge [sflag:s11], $0x4000  }
0x85: {  	[sflag:s11] =	ssyncset.done $0x0  }
0x86: {  	[sflag:s11] =	ssyncadd.s32 $0xFFFFC000  }
0x87: {  	[spmem:s3] =	stream.indirect.scatter.add.f32 [tilespmem:s23], [sflag:$0x1], $0x80, s22, s17, $0xb8;
	[tilespmem:$0x18E00] =	vst v63  }
0x88: {  	_ =	swait.ge [sflag:s11], $0x4000  }
0x89: {  	s24 =	sadd.s32 $0x1, s24;
	[sflag:s11] =	ssyncset.done $0x0  }
0x8a: {  	p0 =	sne.s32 s24, s10;
	[sflag:s11] =	ssyncadd.s32 $0xFFFFC000  }
.Ltmp2:
0x8b: {  	[bflag:$0x0] =	sbarrier.arrive $0xFFFF;
	(pc) =	sbr.rel @p0 .LBB2_1-.Ltmp2, $4  }
0x8c: {  	[hbm:s9], [sflag:s15] =	dma.local [spmem:s16], $0x1000  }
0x8d: {  	_ =	swait.ge [sflag:s11], $0x1000  }
0x8e: {  	[sflag:s11] =	ssyncset.done $0x0  }
0x8f: {  	[sflag:s11] =	ssyncadd.s32 $0xFFFFF000  }
0x90: {  	_ =	sfence.sel $0x180000  }
0x91: {  	[bflag:$0x0] =	sbarrier.arrive $0xFFFF  }
0x92: {  	p0 =	sne.s32 s1, $0x0;
	_ =	strace $0x90000047  }
0x93: {  	s0 =	sadd.s32 @!p0 $0x100000, s0;
	[bflag:$0x2] =	sbarrier.arrive $0xFFFF  }
0x94: {  	[sflag:s0] =	ssyncadd.tile.s32 @!p0 $0x1;
	_ =	shalt  }
.Lfunc_end2:
_tile_overlayer_lowered:
.L_overlay_start_2:
0x95: {  	(tag) =	ssettag $0x2  }
0x96: {  	s0 =	rddreg [dreg:$0x0];
	s2 =	stileid.u32  }
0x97: {  	s1 =	rddreg [dreg:$0x1];
	p0 =	sne.s32 s2, $0x0  }
0x98: {  	s3 =	rddreg [dreg:$0x2];
	[bflag:$0x3] =	sbarrier.arrive $0xFFFF;
	s2 =	simm.s32 @!p0 $0x1C01  }
0x99: {  	[timem:s3], [sflag:s2] =	dma.local @!p0 [hbm:s0], s1  }
0x9a: {  	s0 =	simm.s32 @!p0 $0x1  }
0x9b: {  	_ =	swait.ge @!p0 [sflag:s0], s1  }
0x9c: {  	s1 =	ssub.s32 @!p0 $0x0, s1;
	[sflag:s0] =	ssyncset.done @!p0 $0x0  }
0x9d: {  	[sflag:s0] =	ssyncadd.s32 @!p0 s1  }
0x9e: {  	[bflag:$0x3] =	sbarrier.arrive $0xFFFF  }
0x9f: {  	_ =	shalt  }

</sc_bundles>
